<compile_context>
chip_gen: v7x
topology: tpu7x:2x2x1
jax: 0.10.2.dev20260603
libtpu: 0.0.44.dev20260713+nightly
codegen_flags: <defaults>
</compile_context>

<pallas_src>
import functools

import jax
import jax.numpy as jnp
from jax import lax
from jax.experimental import pallas as pl
from jax.experimental.pallas import tpu as pltpu
from jax.experimental.pallas import tpu_sc as plsc

_HIDDEN = 128
_NC = 2
_NS = 16
_NW = _NC * _NS
_CHUNK = 128
_NBUF = 5


@functools.lru_cache(maxsize=None)
def _make_gather(n_rows, hidden):
    per_w = n_rows // _NW
    nch = per_w // _CHUNK
    nout = nch // _NBUF
    assert nch % _NBUF == 0 and nout >= 2
    mesh = plsc.VectorSubcoreMesh(core_axis_name="c", subcore_axis_name="s")

    @functools.partial(
        pl.kernel,
        mesh=mesh,
        out_type=[
            jax.ShapeDtypeStruct((n_rows, hidden), jnp.float32),
            jax.ShapeDtypeStruct((n_rows, hidden), jnp.float32),
        ],
        scratch_types=(
            [pltpu.VMEM((nch, _CHUNK), jnp.int32),
             pltpu.VMEM((nch, _CHUNK), jnp.int32),
             pltpu.VMEM((_NBUF, _CHUNK, hidden), jnp.float32)]
            + [pltpu.SemaphoreType.DMA] * (2 * _NBUF + 1)
        ),
    )
    def gather_kernel(x_idx_hbm, y_idx_hbm, table_hbm, x_out, y_out,
                      xi_v, yi_v, rows_v, *sems):
        gsems = sems[:_NBUF]
        wsems = sems[_NBUF:2 * _NBUF]
        ssem = sems[2 * _NBUF]
        wid = lax.axis_index("s") * _NC + lax.axis_index("c")
        base = wid * per_w

        def g_start(idx_v, g, b):
            pltpu.async_copy(table_hbm.at[idx_v.at[g]], rows_v.at[b],
                             gsems[b])

        def g_wait(b):
            pltpu.make_async_copy(table_hbm.at[pl.ds(0, _CHUNK)],
                                  rows_v.at[b], gsems[b]).wait()

        def w_start(out_ref, g, b):
            pltpu.async_copy(rows_v.at[b],
                             out_ref.at[pl.ds(base + g * _CHUNK, _CHUNK)],
                             wsems[b])

        def w_wait(b):
            pltpu.make_async_copy(rows_v.at[b],
                                  x_out.at[pl.ds(base, _CHUNK)],
                                  wsems[b]).wait()

        def make_body(idx_v, out_ref):
            def body(o, carry):
                for b in range(_NBUF):
                    g_wait(b)
                    w_start(out_ref, (o - 1) * _NBUF + b, b)
                    if b >= 2:
                        w_wait(b - 2)
                        g_start(idx_v, o * _NBUF + (b - 2), b - 2)
                for b in (_NBUF - 2, _NBUF - 1):
                    w_wait(b)
                    g_start(idx_v, o * _NBUF + b, b)
                return carry
            return body

        pltpu.sync_copy(x_idx_hbm.at[wid], xi_v)
        ycopy = pltpu.async_copy(y_idx_hbm.at[wid], yi_v, ssem)

        for b in range(_NBUF):
            g_start(xi_v, b, b)

        lax.fori_loop(1, nout, make_body(xi_v, x_out), 0)

        ycopy.wait()
        for b in range(_NBUF):
            g_wait(b)
            w_start(x_out, (nout - 1) * _NBUF + b, b)
            if b >= 2:
                w_wait(b - 2)
                g_start(yi_v, b - 2, b - 2)
        for b in (_NBUF - 2, _NBUF - 1):
            w_wait(b)
            g_start(yi_v, b, b)

        lax.fori_loop(1, nout, make_body(yi_v, y_out), 0)

        for b in range(_NBUF):
            g_wait(b)
            w_start(y_out, (nout - 1) * _NBUF + b, b)
        for b in range(_NBUF):
            w_wait(b)

    return gather_kernel


def kernel(x_idx, y_idx, table):
    b, s = x_idx.shape
    n = b * s
    hidden = table.shape[1]
    nch = n // _NW // _CHUNK
    xi = x_idx.T.astype(jnp.int32).reshape(_NW, nch, _CHUNK)
    yi = y_idx.T.astype(jnp.int32).reshape(_NW, nch, _CHUNK)
    x_sb, y_sb = _make_gather(n, hidden)(xi, yi, table)
    x_out = x_sb.reshape(s, b, hidden).transpose(1, 0, 2)
    y_out = y_sb.reshape(s, b, hidden).transpose(1, 0, 2)
    return (x_out, y_out)

# --- scband reference (transcript-rebuilt; emitter-appended) ---
"""Pipeline reference for scband-tokenizer-22239340659290 (READ-ONLY COPY).

The authoritative reference and input builder live on the scoring server;
editing this copy changes nothing except your own understanding.
"""

import jax, jax.numpy as jnp
import numpy as np

VOCAB = 100000
HIDDEN = 128
BATCH = 4096
SEQ = 100

def setup_inputs(seed: int = 0) -> dict:
    key = jax.random.key(seed)
    k1, k2, k3 = jax.random.split(key, 3)
    x_idx = jax.random.randint(k1, (BATCH, SEQ), 0, VOCAB, dtype=jnp.int64 if jax.config.jax_enable_x64 else jnp.int32)
    y_idx = jax.random.randint(k2, (BATCH, SEQ), 0, VOCAB, dtype=jnp.int64 if jax.config.jax_enable_x64 else jnp.int32)
    # learned parameter: embedding table (nn.Embedding(vocab_size, hidden_dim))
    table = jax.random.normal(k3, (VOCAB, HIDDEN), dtype=jnp.float32)
    return {"x_idx": x_idx, "y_idx": y_idx, "table": table}

def reference(x_idx, y_idx, table):
    # Core compute of Tokenizer.__run__: self.x_batch = self.embedding(x_batch);
    # self.y_batch = self.embedding(y_batch). Pure embedding gather.
    x_emb = jnp.take(table, x_idx, axis=0)
    y_emb = jnp.take(table, y_idx, axis=0)
    return (x_emb, y_emb)

if __name__ == "__main__":
    import jax
    _d = setup_inputs()
    print(jax.jit(kernel)(*tuple(_d.values())))

</pallas_src>

<mosaic_0001>
#map = affine_map<(d0, d1) -> (0, 0, 0)>
#map1 = affine_map<(d0, d1) -> (0, 0)>
module attributes {stable_mosaic.version = 14 : i64} {
  func.func @gather_kernel(%arg0: i32, %arg1: i32, %arg2: memref<32x100x128xi32, #tpu.memory_space<hbm>>, %arg3: memref<32x100x128xi32, #tpu.memory_space<hbm>>, %arg4: memref<100000x128xf32, #tpu.memory_space<hbm>>, %arg5: memref<409600x128xf32, #tpu.memory_space<hbm>>, %arg6: memref<409600x128xf32, #tpu.memory_space<hbm>>, %arg7: memref<100x128xi32, #tpu.memory_space<vmem>>, %arg8: memref<100x128xi32, #tpu.memory_space<vmem>>, %arg9: memref<5x128x128xf32, #tpu.memory_space<vmem>>, %arg10: memref<!tpu.dma_semaphore, #tpu.memory_space<semaphore_mem>>, %arg11: memref<!tpu.dma_semaphore, #tpu.memory_space<semaphore_mem>>, %arg12: memref<!tpu.dma_semaphore, #tpu.memory_space<semaphore_mem>>, %arg13: memref<!tpu.dma_semaphore, #tpu.memory_space<semaphore_mem>>, %arg14: memref<!tpu.dma_semaphore, #tpu.memory_space<semaphore_mem>>, %arg15: memref<!tpu.dma_semaphore, #tpu.memory_space<semaphore_mem>>, %arg16: memref<!tpu.dma_semaphore, #tpu.memory_space<semaphore_mem>>, %arg17: memref<!tpu.dma_semaphore, #tpu.memory_space<semaphore_mem>>, %arg18: memref<!tpu.dma_semaphore, #tpu.memory_space<semaphore_mem>>, %arg19: memref<!tpu.dma_semaphore, #tpu.memory_space<semaphore_mem>>, %arg20: memref<!tpu.dma_semaphore, #tpu.memory_space<semaphore_mem>>) attributes {dimension_semantics = [#tpu.dimension_semantics<core_parallel>, #tpu.dimension_semantics<subcore_parallel>], iteration_bounds = array<i64: 2, 16>, scalar_prefetch = 0 : i64, scratch_operands = 14 : i64, tpu.core_type = #tpu.core_type<sc_vector_subcore>, window_params = [{transform_indices = #map}, {transform_indices = #map}, {transform_indices = #map1}, {transform_indices = #map1}, {transform_indices = #map1}]} {
    %mul3A = arith.constant 2 : i32
    %mul3A_0 = arith.muli %arg1, %mul3A : i32
    %add3A = arith.addi %mul3A_0, %arg0 : i32
    %mul3A_1 = arith.constant 12800 : i32
    %mul3A_2 = arith.muli %add3A, %mul3A_1 : i32
    "tpu.region"() ({
      %run_scoped3A = tpu.sem_alloc : memref<!tpu.dma_semaphore, #tpu.memory_space<semaphore_mem>>
      %dma_start3A_578 = arith.constant 0 : i32
      %dma_start3A_579 = arith.constant 0 : i32
      %dma_start3A_580 = tpu.memref_slice %arg2[%add3A, %dma_start3A_578, %dma_start3A_579] : memref<32x100x128xi32, #tpu.memory_space<hbm>> -> memref<1x100x128xi32, #tpu.memory_space<hbm>>
      %dma_start3A_581 = tpu.memref_squeeze %dma_start3A_580 : memref<1x100x128xi32, #tpu.memory_space<hbm>> -> memref<100x128xi32, #tpu.memory_space<hbm>>
      %dma_start3A_582 = arith.constant 0 : i32
      %dma_start3A_583 = arith.constant 0 : i32
      %dma_start3A_584 = tpu.memref_slice %arg2[%add3A, %dma_start3A_582, %dma_start3A_583] : memref<32x100x128xi32, #tpu.memory_space<hbm>> -> memref<1x100x128xi32, #tpu.memory_space<hbm>>
      %dma_start3A_585 = tpu.memref_squeeze %dma_start3A_584 : memref<1x100x128xi32, #tpu.memory_space<hbm>> -> memref<100x128xi32, #tpu.memory_space<hbm>>
      tpu.enqueue_dma source(%dma_start3A_585 : memref<100x128xi32, #tpu.memory_space<hbm>>) target(%arg7 : memref<100x128xi32, #tpu.memory_space<vmem>>) target_semaphore(%run_scoped3A : memref<!tpu.dma_semaphore, #tpu.memory_space<semaphore_mem>>)
      %dma_wait3A_586 = arith.constant 0 : i32
      %dma_wait3A_587 = arith.constant 0 : i32
      %dma_wait3A_588 = tpu.memref_slice %arg2[%add3A, %dma_wait3A_586, %dma_wait3A_587] : memref<32x100x128xi32, #tpu.memory_space<hbm>> -> memref<1x100x128xi32, #tpu.memory_space<hbm>>
      %dma_wait3A_589 = tpu.memref_squeeze %dma_wait3A_588 : memref<1x100x128xi32, #tpu.memory_space<hbm>> -> memref<100x128xi32, #tpu.memory_space<hbm>>
      %dma_wait3A_590 = arith.constant 0 : i32
      %dma_wait3A_591 = arith.constant 0 : i32
      %dma_wait3A_592 = tpu.memref_slice %arg2[%add3A, %dma_wait3A_590, %dma_wait3A_591] : memref<32x100x128xi32, #tpu.memory_space<hbm>> -> memref<1x100x128xi32, #tpu.memory_space<hbm>>
      %dma_wait3A_593 = tpu.memref_squeeze %dma_wait3A_592 : memref<1x100x128xi32, #tpu.memory_space<hbm>> -> memref<100x128xi32, #tpu.memory_space<hbm>>
      tpu.wait_dma2 semaphore(%run_scoped3A : memref<!tpu.dma_semaphore, #tpu.memory_space<semaphore_mem>>) src(%dma_wait3A_593 : memref<100x128xi32, #tpu.memory_space<hbm>>) dst(%arg7 : memref<100x128xi32, #tpu.memory_space<vmem>>)
      tpu.yield
    }) : () -> ()
    %dma_start3A = arith.constant 0 : i32
    %dma_start3A_3 = arith.constant 0 : i32
    %dma_start3A_4 = tpu.memref_slice %arg3[%add3A, %dma_start3A, %dma_start3A_3] : memref<32x100x128xi32, #tpu.memory_space<hbm>> -> memref<1x100x128xi32, #tpu.memory_space<hbm>>
    %dma_start3A_5 = tpu.memref_squeeze %dma_start3A_4 : memref<1x100x128xi32, #tpu.memory_space<hbm>> -> memref<100x128xi32, #tpu.memory_space<hbm>>
    %dma_start3A_6 = arith.constant 0 : i32
    %dma_start3A_7 = arith.constant 0 : i32
    %dma_start3A_8 = tpu.memref_slice %arg3[%add3A, %dma_start3A_6, %dma_start3A_7] : memref<32x100x128xi32, #tpu.memory_space<hbm>> -> memref<1x100x128xi32, #tpu.memory_space<hbm>>
    %dma_start3A_9 = tpu.memref_squeeze %dma_start3A_8 : memref<1x100x128xi32, #tpu.memory_space<hbm>> -> memref<100x128xi32, #tpu.memory_space<hbm>>
    tpu.enqueue_dma source(%dma_start3A_9 : memref<100x128xi32, #tpu.memory_space<hbm>>) target(%arg8 : memref<100x128xi32, #tpu.memory_space<vmem>>) target_semaphore(%arg20 : memref<!tpu.dma_semaphore, #tpu.memory_space<semaphore_mem>>)
    %dma_start3A_10 = arith.constant 0 : i32
    %dma_start3A_11 = arith.constant 0 : i32
    %dma_start3A_12 = arith.constant 0 : i32
    %dma_start3A_13 = arith.constant 0 : i32
    %dma_start3A_14 = tpu.memref_slice %arg9[%dma_start3A_11, %dma_start3A_12, %dma_start3A_13] : memref<5x128x128xf32, #tpu.memory_space<vmem>> -> memref<1x128x128xf32, #tpu.memory_space<vmem>>
    %dma_start3A_15 = tpu.memref_squeeze %dma_start3A_14 : memref<1x128x128xf32, #tpu.memory_space<vmem>> -> memref<128x128xf32, #tpu.memory_space<vmem>>
    %dma_start3A_16 = arith.constant 0 : i32
    %dma_start3A_17 = tpu.memref_slice %arg7[%dma_start3A_10, %dma_start3A_16] : memref<100x128xi32, #tpu.memory_space<vmem>> -> memref<1x128xi32, #tpu.memory_space<vmem>>
    %dma_start3A_18 = tpu.memref_squeeze %dma_start3A_17 : memref<1x128xi32, #tpu.memory_space<vmem>> -> memref<128xi32, #tpu.memory_space<vmem>>
    %dma_start3A_19 = arith.constant 0 : i32
    %dma_start3A_20 = arith.constant 0 : i32
    %dma_start3A_21 = tpu.memref_slice %arg4[%dma_start3A_19, %dma_start3A_20] : memref<100000x128xf32, #tpu.memory_space<hbm>> -> memref<100000x128xf32, #tpu.memory_space<hbm>>
    tpu.enqueue_indirect_dma source(%dma_start3A_21 : memref<100000x128xf32, #tpu.memory_space<hbm>>) target(%dma_start3A_15 : memref<128x128xf32, #tpu.memory_space<vmem>>) offsets(%dma_start3A_18 : memref<128xi32, #tpu.memory_space<vmem>>) semaphore(%arg10 : memref<!tpu.dma_semaphore, #tpu.memory_space<semaphore_mem>>)
    %dma_start3A_22 = arith.constant 1 : i32
    %dma_start3A_23 = arith.constant 1 : i32
    %dma_start3A_24 = arith.constant 0 : i32
    %dma_start3A_25 = arith.constant 0 : i32
    %dma_start3A_26 = tpu.memref_slice %arg9[%dma_start3A_23, %dma_start3A_24, %dma_start3A_25] : memref<5x128x128xf32, #tpu.memory_space<vmem>> -> memref<1x128x128xf32, #tpu.memory_space<vmem>>
    %dma_start3A_27 = tpu.memref_squeeze %dma_start3A_26 : memref<1x128x128xf32, #tpu.memory_space<vmem>> -> memref<128x128xf32, #tpu.memory_space<vmem>>
    %dma_start3A_28 = arith.constant 0 : i32
    %dma_start3A_29 = tpu.memref_slice %arg7[%dma_start3A_22, %dma_start3A_28] : memref<100x128xi32, #tpu.memory_space<vmem>> -> memref<1x128xi32, #tpu.memory_space<vmem>>
    %dma_start3A_30 = tpu.memref_squeeze %dma_start3A_29 : memref<1x128xi32, #tpu.memory_space<vmem>> -> memref<128xi32, #tpu.memory_space<vmem>>
    %dma_start3A_31 = arith.constant 0 : i32
    %dma_start3A_32 = arith.constant 0 : i32
    %dma_start3A_33 = tpu.memref_slice %arg4[%dma_start3A_31, %dma_start3A_32] : memref<100000x128xf32, #tpu.memory_space<hbm>> -> memref<100000x128xf32, #tpu.memory_space<hbm>>
    tpu.enqueue_indirect_dma source(%dma_start3A_33 : memref<100000x128xf32, #tpu.memory_space<hbm>>) target(%dma_start3A_27 : memref<128x128xf32, #tpu.memory_space<vmem>>) offsets(%dma_start3A_30 : memref<128xi32, #tpu.memory_space<vmem>>) semaphore(%arg11 : memref<!tpu.dma_semaphore, #tpu.memory_space<semaphore_mem>>)
    %dma_start3A_34 = arith.constant 2 : i32
    %dma_start3A_35 = arith.constant 2 : i32
    %dma_start3A_36 = arith.constant 0 : i32
    %dma_start3A_37 = arith.constant 0 : i32
    %dma_start3A_38 = tpu.memref_slice %arg9[%dma_start3A_35, %dma_start3A_36, %dma_start3A_37] : memref<5x128x128xf32, #tpu.memory_space<vmem>> -> memref<1x128x128xf32, #tpu.memory_space<vmem>>
    %dma_start3A_39 = tpu.memref_squeeze %dma_start3A_38 : memref<1x128x128xf32, #tpu.memory_space<vmem>> -> memref<128x128xf32, #tpu.memory_space<vmem>>
    %dma_start3A_40 = arith.constant 0 : i32
    %dma_start3A_41 = tpu.memref_slice %arg7[%dma_start3A_34, %dma_start3A_40] : memref<100x128xi32, #tpu.memory_space<vmem>> -> memref<1x128xi32, #tpu.memory_space<vmem>>
    %dma_start3A_42 = tpu.memref_squeeze %dma_start3A_41 : memref<1x128xi32, #tpu.memory_space<vmem>> -> memref<128xi32, #tpu.memory_space<vmem>>
    %dma_start3A_43 = arith.constant 0 : i32
    %dma_start3A_44 = arith.constant 0 : i32
    %dma_start3A_45 = tpu.memref_slice %arg4[%dma_start3A_43, %dma_start3A_44] : memref<100000x128xf32, #tpu.memory_space<hbm>> -> memref<100000x128xf32, #tpu.memory_space<hbm>>
    tpu.enqueue_indirect_dma source(%dma_start3A_45 : memref<100000x128xf32, #tpu.memory_space<hbm>>) target(%dma_start3A_39 : memref<128x128xf32, #tpu.memory_space<vmem>>) offsets(%dma_start3A_42 : memref<128xi32, #tpu.memory_space<vmem>>) semaphore(%arg12 : memref<!tpu.dma_semaphore, #tpu.memory_space<semaphore_mem>>)
    %dma_start3A_46 = arith.constant 3 : i32
    %dma_start3A_47 = arith.constant 3 : i32
    %dma_start3A_48 = arith.constant 0 : i32
    %dma_start3A_49 = arith.constant 0 : i32
    %dma_start3A_50 = tpu.memref_slice %arg9[%dma_start3A_47, %dma_start3A_48, %dma_start3A_49] : memref<5x128x128xf32, #tpu.memory_space<vmem>> -> memref<1x128x128xf32, #tpu.memory_space<vmem>>
    %dma_start3A_51 = tpu.memref_squeeze %dma_start3A_50 : memref<1x128x128xf32, #tpu.memory_space<vmem>> -> memref<128x128xf32, #tpu.memory_space<vmem>>
    %dma_start3A_52 = arith.constant 0 : i32
    %dma_start3A_53 = tpu.memref_slice %arg7[%dma_start3A_46, %dma_start3A_52] : memref<100x128xi32, #tpu.memory_space<vmem>> -> memref<1x128xi32, #tpu.memory_space<vmem>>
    %dma_start3A_54 = tpu.memref_squeeze %dma_start3A_53 : memref<1x128xi32, #tpu.memory_space<vmem>> -> memref<128xi32, #tpu.memory_space<vmem>>
    %dma_start3A_55 = arith.constant 0 : i32
    %dma_start3A_56 = arith.constant 0 : i32
    %dma_start3A_57 = tpu.memref_slice %arg4[%dma_start3A_55, %dma_start3A_56] : memref<100000x128xf32, #tpu.memory_space<hbm>> -> memref<100000x128xf32, #tpu.memory_space<hbm>>
    tpu.enqueue_indirect_dma source(%dma_start3A_57 : memref<100000x128xf32, #tpu.memory_space<hbm>>) target(%dma_start3A_51 : memref<128x128xf32, #tpu.memory_space<vmem>>) offsets(%dma_start3A_54 : memref<128xi32, #tpu.memory_space<vmem>>) semaphore(%arg13 : memref<!tpu.dma_semaphore, #tpu.memory_space<semaphore_mem>>)
    %dma_start3A_58 = arith.constant 4 : i32
    %dma_start3A_59 = arith.constant 4 : i32
    %dma_start3A_60 = arith.constant 0 : i32
    %dma_start3A_61 = arith.constant 0 : i32
    %dma_start3A_62 = tpu.memref_slice %arg9[%dma_start3A_59, %dma_start3A_60, %dma_start3A_61] : memref<5x128x128xf32, #tpu.memory_space<vmem>> -> memref<1x128x128xf32, #tpu.memory_space<vmem>>
    %dma_start3A_63 = tpu.memref_squeeze %dma_start3A_62 : memref<1x128x128xf32, #tpu.memory_space<vmem>> -> memref<128x128xf32, #tpu.memory_space<vmem>>
    %dma_start3A_64 = arith.constant 0 : i32
    %dma_start3A_65 = tpu.memref_slice %arg7[%dma_start3A_58, %dma_start3A_64] : memref<100x128xi32, #tpu.memory_space<vmem>> -> memref<1x128xi32, #tpu.memory_space<vmem>>
    %dma_start3A_66 = tpu.memref_squeeze %dma_start3A_65 : memref<1x128xi32, #tpu.memory_space<vmem>> -> memref<128xi32, #tpu.memory_space<vmem>>
    %dma_start3A_67 = arith.constant 0 : i32
    %dma_start3A_68 = arith.constant 0 : i32
    %dma_start3A_69 = tpu.memref_slice %arg4[%dma_start3A_67, %dma_start3A_68] : memref<100000x128xf32, #tpu.memory_space<hbm>> -> memref<100000x128xf32, #tpu.memory_space<hbm>>
    tpu.enqueue_indirect_dma source(%dma_start3A_69 : memref<100000x128xf32, #tpu.memory_space<hbm>>) target(%dma_start3A_63 : memref<128x128xf32, #tpu.memory_space<vmem>>) offsets(%dma_start3A_66 : memref<128xi32, #tpu.memory_space<vmem>>) semaphore(%arg14 : memref<!tpu.dma_semaphore, #tpu.memory_space<semaphore_mem>>)
    %scan3A = arith.constant 0 : i32
    %scan3A_70 = arith.constant 1 : i32
    %scan3A_71 = arith.constant 19 : i32
    %scan3A_72 = arith.addi %scan3A_70, %scan3A_71 : i32
    %scan3A_73 = arith.constant 1 : i32
    scf.for %scan3A_578 = %scan3A_70 to %scan3A_72 step %scan3A_73  : i32 {
      %dma_wait3A_579 = arith.constant 0 : i32
      %dma_wait3A_580 = arith.constant 0 : i32
      %dma_wait3A_581 = arith.constant 0 : i32
      %dma_wait3A_582 = tpu.memref_slice %arg9[%dma_wait3A_579, %dma_wait3A_580, %dma_wait3A_581] : memref<5x128x128xf32, #tpu.memory_space<vmem>> -> memref<1x128x128xf32, #tpu.memory_space<vmem>>
      %dma_wait3A_583 = tpu.memref_squeeze %dma_wait3A_582 : memref<1x128x128xf32, #tpu.memory_space<vmem>> -> memref<128x128xf32, #tpu.memory_space<vmem>>
      %dma_wait3A_584 = arith.constant 0 : i32
      %dma_wait3A_585 = arith.constant 0 : i32
      %dma_wait3A_586 = tpu.memref_slice %arg4[%dma_wait3A_584, %dma_wait3A_585] : memref<100000x128xf32, #tpu.memory_space<hbm>> -> memref<128x128xf32, #tpu.memory_space<hbm>>
      %dma_wait3A_587 = arith.constant 0 : i32
      %dma_wait3A_588 = arith.constant 0 : i32
      %dma_wait3A_589 = tpu.memref_slice %arg9[%dma_wait3A_579, %dma_wait3A_587, %dma_wait3A_588] : memref<5x128x128xf32, #tpu.memory_space<vmem>> -> memref<1x128x128xf32, #tpu.memory_space<vmem>>
      %dma_wait3A_590 = tpu.memref_squeeze %dma_wait3A_589 : memref<1x128x128xf32, #tpu.memory_space<vmem>> -> memref<128x128xf32, #tpu.memory_space<vmem>>
      %dma_wait3A_591 = arith.constant 0 : i32
      %dma_wait3A_592 = arith.constant 0 : i32
      %dma_wait3A_593 = tpu.memref_slice %arg4[%dma_wait3A_591, %dma_wait3A_592] : memref<100000x128xf32, #tpu.memory_space<hbm>> -> memref<128x128xf32, #tpu.memory_space<hbm>>
      tpu.wait_dma2 semaphore(%arg10 : memref<!tpu.dma_semaphore, #tpu.memory_space<semaphore_mem>>) src(%dma_wait3A_593 : memref<128x128xf32, #tpu.memory_space<hbm>>) dst(%dma_wait3A_590 : memref<128x128xf32, #tpu.memory_space<vmem>>)
      %sub3A = arith.constant 1 : i32
      %sub3A_594 = arith.subi %scan3A_578, %sub3A : i32
      %mul3A_595 = arith.constant 5 : i32
      %mul3A_596 = arith.muli %sub3A_594, %mul3A_595 : i32
      %add3A_597 = arith.constant 0 : i32
      %add3A_598 = arith.addi %mul3A_596, %add3A_597 : i32
      %mul3A_599 = arith.constant 128 : i32
      %mul3A_600 = arith.muli %add3A_598, %mul3A_599 : i32
      %add3A_601 = arith.addi %mul3A_2, %mul3A_600 : i32
      %dma_start3A_602 = arith.constant 0 : i32
      %dma_start3A_603 = arith.constant 0 : i32
      %dma_start3A_604 = arith.constant 0 : i32
      %dma_start3A_605 = tpu.memref_slice %arg9[%dma_start3A_602, %dma_start3A_603, %dma_start3A_604] : memref<5x128x128xf32, #tpu.memory_space<vmem>> -> memref<1x128x128xf32, #tpu.memory_space<vmem>>
      %dma_start3A_606 = tpu.memref_squeeze %dma_start3A_605 : memref<1x128x128xf32, #tpu.memory_space<vmem>> -> memref<128x128xf32, #tpu.memory_space<vmem>>
      %dma_start3A_607 = arith.constant 0 : i32
      %dma_start3A_608 = tpu.memref_slice %arg5[%add3A_601, %dma_start3A_607] : memref<409600x128xf32, #tpu.memory_space<hbm>> -> memref<128x128xf32, #tpu.memory_space<hbm>>
      %dma_start3A_609 = arith.constant 0 : i32
      %dma_start3A_610 = tpu.memref_slice %arg5[%add3A_601, %dma_start3A_609] : memref<409600x128xf32, #tpu.memory_space<hbm>> -> memref<128x128xf32, #tpu.memory_space<hbm>>
      %dma_start3A_611 = arith.constant 0 : i32
      %dma_start3A_612 = arith.constant 0 : i32
      %dma_start3A_613 = tpu.memref_slice %arg9[%dma_start3A_602, %dma_start3A_611, %dma_start3A_612] : memref<5x128x128xf32, #tpu.memory_space<vmem>> -> memref<1x128x128xf32, #tpu.memory_space<vmem>>
      %dma_start3A_614 = tpu.memref_squeeze %dma_start3A_613 : memref<1x128x128xf32, #tpu.memory_space<vmem>> -> memref<128x128xf32, #tpu.memory_space<vmem>>
      tpu.enqueue_dma source(%dma_start3A_614 : memref<128x128xf32, #tpu.memory_space<vmem>>) target(%dma_start3A_610 : memref<128x128xf32, #tpu.memory_space<hbm>>) target_semaphore(%arg15 : memref<!tpu.dma_semaphore, #tpu.memory_space<semaphore_mem>>)
      %dma_wait3A_615 = arith.constant 1 : i32
      %dma_wait3A_616 = arith.constant 0 : i32
      %dma_wait3A_617 = arith.constant 0 : i32
      %dma_wait3A_618 = tpu.memref_slice %arg9[%dma_wait3A_615, %dma_wait3A_616, %dma_wait3A_617] : memref<5x128x128xf32, #tpu.memory_space<vmem>> -> memref<1x128x128xf32, #tpu.memory_space<vmem>>
      %dma_wait3A_619 = tpu.memref_squeeze %dma_wait3A_618 : memref<1x128x128xf32, #tpu.memory_space<vmem>> -> memref<128x128xf32, #tpu.memory_space<vmem>>
      %dma_wait3A_620 = arith.constant 0 : i32
      %dma_wait3A_621 = arith.constant 0 : i32
      %dma_wait3A_622 = tpu.memref_slice %arg4[%dma_wait3A_620, %dma_wait3A_621] : memref<100000x128xf32, #tpu.memory_space<hbm>> -> memref<128x128xf32, #tpu.memory_space<hbm>>
      %dma_wait3A_623 = arith.constant 0 : i32
      %dma_wait3A_624 = arith.constant 0 : i32
      %dma_wait3A_625 = tpu.memref_slice %arg9[%dma_wait3A_615, %dma_wait3A_623, %dma_wait3A_624] : memref<5x128x128xf32, #tpu.memory_space<vmem>> -> memref<1x128x128xf32, #tpu.memory_space<vmem>>
      %dma_wait3A_626 = tpu.memref_squeeze %dma_wait3A_625 : memref<1x128x128xf32, #tpu.memory_space<vmem>> -> memref<128x128xf32, #tpu.memory_space<vmem>>
      %dma_wait3A_627 = arith.constant 0 : i32
      %dma_wait3A_628 = arith.constant 0 : i32
      %dma_wait3A_629 = tpu.memref_slice %arg4[%dma_wait3A_627, %dma_wait3A_628] : memref<100000x128xf32, #tpu.memory_space<hbm>> -> memref<128x128xf32, #tpu.memory_space<hbm>>
      tpu.wait_dma2 semaphore(%arg11 : memref<!tpu.dma_semaphore, #tpu.memory_space<semaphore_mem>>) src(%dma_wait3A_629 : memref<128x128xf32, #tpu.memory_space<hbm>>) dst(%dma_wait3A_626 : memref<128x128xf32, #tpu.memory_space<vmem>>)
      %sub3A_630 = arith.constant 1 : i32
      %sub3A_631 = arith.subi %scan3A_578, %sub3A_630 : i32
      %mul3A_632 = arith.constant 5 : i32
      %mul3A_633 = arith.muli %sub3A_631, %mul3A_632 : i32
      %add3A_634 = arith.constant 1 : i32
      %add3A_635 = arith.addi %mul3A_633, %add3A_634 : i32
      %mul3A_636 = arith.constant 128 : i32
      %mul3A_637 = arith.muli %add3A_635, %mul3A_636 : i32
      %add3A_638 = arith.addi %mul3A_2, %mul3A_637 : i32
      %dma_start3A_639 = arith.constant 1 : i32
      %dma_start3A_640 = arith.constant 0 : i32
      %dma_start3A_641 = arith.constant 0 : i32
      %dma_start3A_642 = tpu.memref_slice %arg9[%dma_start3A_639, %dma_start3A_640, %dma_start3A_641] : memref<5x128x128xf32, #tpu.memory_space<vmem>> -> memref<1x128x128xf32, #tpu.memory_space<vmem>>
      %dma_start3A_643 = tpu.memref_squeeze %dma_start3A_642 : memref<1x128x128xf32, #tpu.memory_space<vmem>> -> memref<128x128xf32, #tpu.memory_space<vmem>>
      %dma_start3A_644 = arith.constant 0 : i32
      %dma_start3A_645 = tpu.memref_slice %arg5[%add3A_638, %dma_start3A_644] : memref<409600x128xf32, #tpu.memory_space<hbm>> -> memref<128x128xf32, #tpu.memory_space<hbm>>
      %dma_start3A_646 = arith.constant 0 : i32
      %dma_start3A_647 = tpu.memref_slice %arg5[%add3A_638, %dma_start3A_646] : memref<409600x128xf32, #tpu.memory_space<hbm>> -> memref<128x128xf32, #tpu.memory_space<hbm>>
      %dma_start3A_648 = arith.constant 0 : i32
      %dma_start3A_649 = arith.constant 0 : i32
      %dma_start3A_650 = tpu.memref_slice %arg9[%dma_start3A_639, %dma_start3A_648, %dma_start3A_649] : memref<5x128x128xf32, #tpu.memory_space<vmem>> -> memref<1x128x128xf32, #tpu.memory_space<vmem>>
      %dma_start3A_651 = tpu.memref_squeeze %dma_start3A_650 : memref<1x128x128xf32, #tpu.memory_space<vmem>> -> memref<128x128xf32, #tpu.memory_space<vmem>>
      tpu.enqueue_dma source(%dma_start3A_651 : memref<128x128xf32, #tpu.memory_space<vmem>>) target(%dma_start3A_647 : memref<128x128xf32, #tpu.memory_space<hbm>>) target_semaphore(%arg16 : memref<!tpu.dma_semaphore, #tpu.memory_space<semaphore_mem>>)
      %dma_wait3A_652 = arith.constant 2 : i32
      %dma_wait3A_653 = arith.constant 0 : i32
      %dma_wait3A_654 = arith.constant 0 : i32
      %dma_wait3A_655 = tpu.memref_slice %arg9[%dma_wait3A_652, %dma_wait3A_653, %dma_wait3A_654] : memref<5x128x128xf32, #tpu.memory_space<vmem>> -> memref<1x128x128xf32, #tpu.memory_space<vmem>>
      %dma_wait3A_656 = tpu.memref_squeeze %dma_wait3A_655 : memref<1x128x128xf32, #tpu.memory_space<vmem>> -> memref<128x128xf32, #tpu.memory_space<vmem>>
      %dma_wait3A_657 = arith.constant 0 : i32
      %dma_wait3A_658 = arith.constant 0 : i32
      %dma_wait3A_659 = tpu.memref_slice %arg4[%dma_wait3A_657, %dma_wait3A_658] : memref<100000x128xf32, #tpu.memory_space<hbm>> -> memref<128x128xf32, #tpu.memory_space<hbm>>
      %dma_wait3A_660 = arith.constant 0 : i32
      %dma_wait3A_661 = arith.constant 0 : i32
      %dma_wait3A_662 = tpu.memref_slice %arg9[%dma_wait3A_652, %dma_wait3A_660, %dma_wait3A_661] : memref<5x128x128xf32, #tpu.memory_space<vmem>> -> memref<1x128x128xf32, #tpu.memory_space<vmem>>
      %dma_wait3A_663 = tpu.memref_squeeze %dma_wait3A_662 : memref<1x128x128xf32, #tpu.memory_space<vmem>> -> memref<128x128xf32, #tpu.memory_space<vmem>>
      %dma_wait3A_664 = arith.constant 0 : i32
      %dma_wait3A_665 = arith.constant 0 : i32
      %dma_wait3A_666 = tpu.memref_slice %arg4[%dma_wait3A_664, %dma_wait3A_665] : memref<100000x128xf32, #tpu.memory_space<hbm>> -> memref<128x128xf32, #tpu.memory_space<hbm>>
      tpu.wait_dma2 semaphore(%arg12 : memref<!tpu.dma_semaphore, #tpu.memory_space<semaphore_mem>>) src(%dma_wait3A_666 : memref<128x128xf32, #tpu.memory_space<hbm>>) dst(%dma_wait3A_663 : memref<128x128xf32, #tpu.memory_space<vmem>>)
      %sub3A_667 = arith.constant 1 : i32
      %sub3A_668 = arith.subi %scan3A_578, %sub3A_667 : i32
      %mul3A_669 = arith.constant 5 : i32
      %mul3A_670 = arith.muli %sub3A_668, %mul3A_669 : i32
      %add3A_671 = arith.constant 2 : i32
      %add3A_672 = arith.addi %mul3A_670, %add3A_671 : i32
      %mul3A_673 = arith.constant 128 : i32
      %mul3A_674 = arith.muli %add3A_672, %mul3A_673 : i32
      %add3A_675 = arith.addi %mul3A_2, %mul3A_674 : i32
      %dma_start3A_676 = arith.constant 2 : i32
      %dma_start3A_677 = arith.constant 0 : i32
      %dma_start3A_678 = arith.constant 0 : i32
      %dma_start3A_679 = tpu.memref_slice %arg9[%dma_start3A_676, %dma_start3A_677, %dma_start3A_678] : memref<5x128x128xf32, #tpu.memory_space<vmem>> -> memref<1x128x128xf32, #tpu.memory_space<vmem>>
      %dma_start3A_680 = tpu.memref_squeeze %dma_start3A_679 : memref<1x128x128xf32, #tpu.memory_space<vmem>> -> memref<128x128xf32, #tpu.memory_space<vmem>>
      %dma_start3A_681 = arith.constant 0 : i32
      %dma_start3A_682 = tpu.memref_slice %arg5[%add3A_675, %dma_start3A_681] : memref<409600x128xf32, #tpu.memory_space<hbm>> -> memref<128x128xf32, #tpu.memory_space<hbm>>
      %dma_start3A_683 = arith.constant 0 : i32
      %dma_start3A_684 = tpu.memref_slice %arg5[%add3A_675, %dma_start3A_683] : memref<409600x128xf32, #tpu.memory_space<hbm>> -> memref<128x128xf32, #tpu.memory_space<hbm>>
      %dma_start3A_685 = arith.constant 0 : i32
      %dma_start3A_686 = arith.constant 0 : i32
      %dma_start3A_687 = tpu.memref_slice %arg9[%dma_start3A_676, %dma_start3A_685, %dma_start3A_686] : memref<5x128x128xf32, #tpu.memory_space<vmem>> -> memref<1x128x128xf32, #tpu.memory_space<vmem>>
      %dma_start3A_688 = tpu.memref_squeeze %dma_start3A_687 : memref<1x128x128xf32, #tpu.memory_space<vmem>> -> memref<128x128xf32, #tpu.memory_space<vmem>>
      tpu.enqueue_dma source(%dma_start3A_688 : memref<128x128xf32, #tpu.memory_space<vmem>>) target(%dma_start3A_684 : memref<128x128xf32, #tpu.memory_space<hbm>>) target_semaphore(%arg17 : memref<!tpu.dma_semaphore, #tpu.memory_space<semaphore_mem>>)
      %dma_wait3A_689 = arith.constant 0 : i32
      %dma_wait3A_690 = arith.constant 0 : i32
      %dma_wait3A_691 = arith.constant 0 : i32
      %dma_wait3A_692 = tpu.memref_slice %arg9[%dma_wait3A_689, %dma_wait3A_690, %dma_wait3A_691] : memref<5x128x128xf32, #tpu.memory_space<vmem>> -> memref<1x128x128xf32, #tpu.memory_space<vmem>>
      %dma_wait3A_693 = tpu.memref_squeeze %dma_wait3A_692 : memref<1x128x128xf32, #tpu.memory_space<vmem>> -> memref<128x128xf32, #tpu.memory_space<vmem>>
      %dma_wait3A_694 = arith.constant 0 : i32
      %dma_wait3A_695 = tpu.memref_slice %arg5[%mul3A_2, %dma_wait3A_694] : memref<409600x128xf32, #tpu.memory_space<hbm>> -> memref<128x128xf32, #tpu.memory_space<hbm>>
      %dma_wait3A_696 = arith.constant 0 : i32
      %dma_wait3A_697 = tpu.memref_slice %arg5[%mul3A_2, %dma_wait3A_696] : memref<409600x128xf32, #tpu.memory_space<hbm>> -> memref<128x128xf32, #tpu.memory_space<hbm>>
      %dma_wait3A_698 = arith.constant 0 : i32
      %dma_wait3A_699 = arith.constant 0 : i32
      %dma_wait3A_700 = tpu.memref_slice %arg9[%dma_wait3A_689, %dma_wait3A_698, %dma_wait3A_699] : memref<5x128x128xf32, #tpu.memory_space<vmem>> -> memref<1x128x128xf32, #tpu.memory_space<vmem>>
      %dma_wait3A_701 = tpu.memref_squeeze %dma_wait3A_700 : memref<1x128x128xf32, #tpu.memory_space<vmem>> -> memref<128x128xf32, #tpu.memory_space<vmem>>
      tpu.wait_dma2 semaphore(%arg15 : memref<!tpu.dma_semaphore, #tpu.memory_space<semaphore_mem>>) src(%dma_wait3A_701 : memref<128x128xf32, #tpu.memory_space<vmem>>) dst(%dma_wait3A_697 : memref<128x128xf32, #tpu.memory_space<hbm>>)
      %mul3A_702 = arith.constant 5 : i32
      %mul3A_703 = arith.muli %scan3A_578, %mul3A_702 : i32
      %add3A_704 = arith.constant 0 : i32
      %add3A_705 = arith.addi %mul3A_703, %add3A_704 : i32
      %dma_start3A_706 = arith.constant 0 : i32
      %dma_start3A_707 = arith.constant 0 : i32
      %dma_start3A_708 = arith.constant 0 : i32
      %dma_start3A_709 = tpu.memref_slice %arg9[%dma_start3A_706, %dma_start3A_707, %dma_start3A_708] : memref<5x128x128xf32, #tpu.memory_space<vmem>> -> memref<1x128x128xf32, #tpu.memory_space<vmem>>
      %dma_start3A_710 = tpu.memref_squeeze %dma_start3A_709 : memref<1x128x128xf32, #tpu.memory_space<vmem>> -> memref<128x128xf32, #tpu.memory_space<vmem>>
      %dma_start3A_711 = arith.constant 0 : i32
      %dma_start3A_712 = tpu.memref_slice %arg7[%add3A_705, %dma_start3A_711] : memref<100x128xi32, #tpu.memory_space<vmem>> -> memref<1x128xi32, #tpu.memory_space<vmem>>
      %dma_start3A_713 = tpu.memref_squeeze %dma_start3A_712 : memref<1x128xi32, #tpu.memory_space<vmem>> -> memref<128xi32, #tpu.memory_space<vmem>>
      %dma_start3A_714 = arith.constant 0 : i32
      %dma_start3A_715 = arith.constant 0 : i32
      %dma_start3A_716 = tpu.memref_slice %arg4[%dma_start3A_714, %dma_start3A_715] : memref<100000x128xf32, #tpu.memory_space<hbm>> -> memref<100000x128xf32, #tpu.memory_space<hbm>>
      tpu.enqueue_indirect_dma source(%dma_start3A_716 : memref<100000x128xf32, #tpu.memory_space<hbm>>) target(%dma_start3A_710 : memref<128x128xf32, #tpu.memory_space<vmem>>) offsets(%dma_start3A_713 : memref<128xi32, #tpu.memory_space<vmem>>) semaphore(%arg10 : memref<!tpu.dma_semaphore, #tpu.memory_space<semaphore_mem>>)
      %dma_wait3A_717 = arith.constant 3 : i32
      %dma_wait3A_718 = arith.constant 0 : i32
      %dma_wait3A_719 = arith.constant 0 : i32
      %dma_wait3A_720 = tpu.memref_slice %arg9[%dma_wait3A_717, %dma_wait3A_718, %dma_wait3A_719] : memref<5x128x128xf32, #tpu.memory_space<vmem>> -> memref<1x128x128xf32, #tpu.memory_space<vmem>>
      %dma_wait3A_721 = tpu.memref_squeeze %dma_wait3A_720 : memref<1x128x128xf32, #tpu.memory_space<vmem>> -> memref<128x128xf32, #tpu.memory_space<vmem>>
      %dma_wait3A_722 = arith.constant 0 : i32
      %dma_wait3A_723 = arith.constant 0 : i32
      %dma_wait3A_724 = tpu.memref_slice %arg4[%dma_wait3A_722, %dma_wait3A_723] : memref<100000x128xf32, #tpu.memory_space<hbm>> -> memref<128x128xf32, #tpu.memory_space<hbm>>
      %dma_wait3A_725 = arith.constant 0 : i32
      %dma_wait3A_726 = arith.constant 0 : i32
      %dma_wait3A_727 = tpu.memref_slice %arg9[%dma_wait3A_717, %dma_wait3A_725, %dma_wait3A_726] : memref<5x128x128xf32, #tpu.memory_space<vmem>> -> memref<1x128x128xf32, #tpu.memory_space<vmem>>
      %dma_wait3A_728 = tpu.memref_squeeze %dma_wait3A_727 : memref<1x128x128xf32, #tpu.memory_space<vmem>> -> memref<128x128xf32, #tpu.memory_space<vmem>>
      %dma_wait3A_729 = arith.constant 0 : i32
      %dma_wait3A_730 = arith.constant 0 : i32
      %dma_wait3A_731 = tpu.memref_slice %arg4[%dma_wait3A_729, %dma_wait3A_730] : memref<100000x128xf32, #tpu.memory_space<hbm>> -> memref<128x128xf32, #tpu.memory_space<hbm>>
      tpu.wait_dma2 semaphore(%arg13 : memref<!tpu.dma_semaphore, #tpu.memory_space<semaphore_mem>>) src(%dma_wait3A_731 : memref<128x128xf32, #tpu.memory_space<hbm>>) dst(%dma_wait3A_728 : memref<128x128xf32, #tpu.memory_space<vmem>>)
      %sub3A_732 = arith.constant 1 : i32
      %sub3A_733 = arith.subi %scan3A_578, %sub3A_732 : i32
      %mul3A_734 = arith.constant 5 : i32
      %mul3A_735 = arith.muli %sub3A_733, %mul3A_734 : i32
      %add3A_736 = arith.constant 3 : i32
      %add3A_737 = arith.addi %mul3A_735, %add3A_736 : i32
      %mul3A_738 = arith.constant 128 : i32
      %mul3A_739 = arith.muli %add3A_737, %mul3A_738 : i32
      %add3A_740 = arith.addi %mul3A_2, %mul3A_739 : i32
      %dma_start3A_741 = arith.constant 3 : i32
      %dma_start3A_742 = arith.constant 0 : i32
      %dma_start3A_743 = arith.constant 0 : i32
      %dma_start3A_744 = tpu.memref_slice %arg9[%dma_start3A_741, %dma_start3A_742, %dma_start3A_743] : memref<5x128x128xf32, #tpu.memory_space<vmem>> -> memref<1x128x128xf32, #tpu.memory_space<vmem>>
      %dma_start3A_745 = tpu.memref_squeeze %dma_start3A_744 : memref<1x128x128xf32, #tpu.memory_space<vmem>> -> memref<128x128xf32, #tpu.memory_space<vmem>>
      %dma_start3A_746 = arith.constant 0 : i32
      %dma_start3A_747 = tpu.memref_slice %arg5[%add3A_740, %dma_start3A_746] : memref<409600x128xf32, #tpu.memory_space<hbm>> -> memref<128x128xf32, #tpu.memory_space<hbm>>
      %dma_start3A_748 = arith.constant 0 : i32
      %dma_start3A_749 = tpu.memref_slice %arg5[%add3A_740, %dma_start3A_748] : memref<409600x128xf32, #tpu.memory_space<hbm>> -> memref<128x128xf32, #tpu.memory_space<hbm>>
      %dma_start3A_750 = arith.constant 0 : i32
      %dma_start3A_751 = arith.constant 0 : i32
      %dma_start3A_752 = tpu.memref_slice %arg9[%dma_start3A_741, %dma_start3A_750, %dma_start3A_751] : memref<5x128x128xf32, #tpu.memory_space<vmem>> -> memref<1x128x128xf32, #tpu.memory_space<vmem>>
      %dma_start3A_753 = tpu.memref_squeeze %dma_start3A_752 : memref<1x128x128xf32, #tpu.memory_space<vmem>> -> memref<128x128xf32, #tpu.memory_space<vmem>>
      tpu.enqueue_dma source(%dma_start3A_753 : memref<128x128xf32, #tpu.memory_space<vmem>>) target(%dma_start3A_749 : memref<128x128xf32, #tpu.memory_space<hbm>>) target_semaphore(%arg18 : memref<!tpu.dma_semaphore, #tpu.memory_space<semaphore_mem>>)
      %dma_wait3A_754 = arith.constant 1 : i32
      %dma_wait3A_755 = arith.constant 0 : i32
      %dma_wait3A_756 = arith.constant 0 : i32
      %dma_wait3A_757 = tpu.memref_slice %arg9[%dma_wait3A_754, %dma_wait3A_755, %dma_wait3A_756] : memref<5x128x128xf32, #tpu.memory_space<vmem>> -> memref<1x128x128xf32, #tpu.memory_space<vmem>>
      %dma_wait3A_758 = tpu.memref_squeeze %dma_wait3A_757 : memref<1x128x128xf32, #tpu.memory_space<vmem>> -> memref<128x128xf32, #tpu.memory_space<vmem>>
      %dma_wait3A_759 = arith.constant 0 : i32
      %dma_wait3A_760 = tpu.memref_slice %arg5[%mul3A_2, %dma_wait3A_759] : memref<409600x128xf32, #tpu.memory_space<hbm>> -> memref<128x128xf32, #tpu.memory_space<hbm>>
      %dma_wait3A_761 = arith.constant 0 : i32
      %dma_wait3A_762 = tpu.memref_slice %arg5[%mul3A_2, %dma_wait3A_761] : memref<409600x128xf32, #tpu.memory_space<hbm>> -> memref<128x128xf32, #tpu.memory_space<hbm>>
      %dma_wait3A_763 = arith.constant 0 : i32
      %dma_wait3A_764 = arith.constant 0 : i32
      %dma_wait3A_765 = tpu.memref_slice %arg9[%dma_wait3A_754, %dma_wait3A_763, %dma_wait3A_764] : memref<5x128x128xf32, #tpu.memory_space<vmem>> -> memref<1x128x128xf32, #tpu.memory_space<vmem>>
      %dma_wait3A_766 = tpu.memref_squeeze %dma_wait3A_765 : memref<1x128x128xf32, #tpu.memory_space<vmem>> -> memref<128x128xf32, #tpu.memory_space<vmem>>
      tpu.wait_dma2 semaphore(%arg16 : memref<!tpu.dma_semaphore, #tpu.memory_space<semaphore_mem>>) src(%dma_wait3A_766 : memref<128x128xf32, #tpu.memory_space<vmem>>) dst(%dma_wait3A_762 : memref<128x128xf32, #tpu.memory_space<hbm>>)
      %mul3A_767 = arith.constant 5 : i32
      %mul3A_768 = arith.muli %scan3A_578, %mul3A_767 : i32
      %add3A_769 = arith.constant 1 : i32
      %add3A_770 = arith.addi %mul3A_768, %add3A_769 : i32
      %dma_start3A_771 = arith.constant 1 : i32
      %dma_start3A_772 = arith.constant 0 : i32
      %dma_start3A_773 = arith.constant 0 : i32
      %dma_start3A_774 = tpu.memref_slice %arg9[%dma_start3A_771, %dma_start3A_772, %dma_start3A_773] : memref<5x128x128xf32, #tpu.memory_space<vmem>> -> memref<1x128x128xf32, #tpu.memory_space<vmem>>
      %dma_start3A_775 = tpu.memref_squeeze %dma_start3A_774 : memref<1x128x128xf32, #tpu.memory_space<vmem>> -> memref<128x128xf32, #tpu.memory_space<vmem>>
      %dma_start3A_776 = arith.constant 0 : i32
      %dma_start3A_777 = tpu.memref_slice %arg7[%add3A_770, %dma_start3A_776] : memref<100x128xi32, #tpu.memory_space<vmem>> -> memref<1x128xi32, #tpu.memory_space<vmem>>
      %dma_start3A_778 = tpu.memref_squeeze %dma_start3A_777 : memref<1x128xi32, #tpu.memory_space<vmem>> -> memref<128xi32, #tpu.memory_space<vmem>>
      %dma_start3A_779 = arith.constant 0 : i32
      %dma_start3A_780 = arith.constant 0 : i32
      %dma_start3A_781 = tpu.memref_slice %arg4[%dma_start3A_779, %dma_start3A_780] : memref<100000x128xf32, #tpu.memory_space<hbm>> -> memref<100000x128xf32, #tpu.memory_space<hbm>>
      tpu.enqueue_indirect_dma source(%dma_start3A_781 : memref<100000x128xf32, #tpu.memory_space<hbm>>) target(%dma_start3A_775 : memref<128x128xf32, #tpu.memory_space<vmem>>) offsets(%dma_start3A_778 : memref<128xi32, #tpu.memory_space<vmem>>) semaphore(%arg11 : memref<!tpu.dma_semaphore, #tpu.memory_space<semaphore_mem>>)
      %dma_wait3A_782 = arith.constant 4 : i32
      %dma_wait3A_783 = arith.constant 0 : i32
      %dma_wait3A_784 = arith.constant 0 : i32
      %dma_wait3A_785 = tpu.memref_slice %arg9[%dma_wait3A_782, %dma_wait3A_783, %dma_wait3A_784] : memref<5x128x128xf32, #tpu.memory_space<vmem>> -> memref<1x128x128xf32, #tpu.memory_space<vmem>>
      %dma_wait3A_786 = tpu.memref_squeeze %dma_wait3A_785 : memref<1x128x128xf32, #tpu.memory_space<vmem>> -> memref<128x128xf32, #tpu.memory_space<vmem>>
      %dma_wait3A_787 = arith.constant 0 : i32
      %dma_wait3A_788 = arith.constant 0 : i32
      %dma_wait3A_789 = tpu.memref_slice %arg4[%dma_wait3A_787, %dma_wait3A_788] : memref<100000x128xf32, #tpu.memory_space<hbm>> -> memref<128x128xf32, #tpu.memory_space<hbm>>
      %dma_wait3A_790 = arith.constant 0 : i32
      %dma_wait3A_791 = arith.constant 0 : i32
      %dma_wait3A_792 = tpu.memref_slice %arg9[%dma_wait3A_782, %dma_wait3A_790, %dma_wait3A_791] : memref<5x128x128xf32, #tpu.memory_space<vmem>> -> memref<1x128x128xf32, #tpu.memory_space<vmem>>
      %dma_wait3A_793 = tpu.memref_squeeze %dma_wait3A_792 : memref<1x128x128xf32, #tpu.memory_space<vmem>> -> memref<128x128xf32, #tpu.memory_space<vmem>>
      %dma_wait3A_794 = arith.constant 0 : i32
      %dma_wait3A_795 = arith.constant 0 : i32
      %dma_wait3A_796 = tpu.memref_slice %arg4[%dma_wait3A_794, %dma_wait3A_795] : memref<100000x128xf32, #tpu.memory_space<hbm>> -> memref<128x128xf32, #tpu.memory_space<hbm>>
      tpu.wait_dma2 semaphore(%arg14 : memref<!tpu.dma_semaphore, #tpu.memory_space<semaphore_mem>>) src(%dma_wait3A_796 : memref<128x128xf32, #tpu.memory_space<hbm>>) dst(%dma_wait3A_793 : memref<128x128xf32, #tpu.memory_space<vmem>>)
      %sub3A_797 = arith.constant 1 : i32
      %sub3A_798 = arith.subi %scan3A_578, %sub3A_797 : i32
      %mul3A_799 = arith.constant 5 : i32
      %mul3A_800 = arith.muli %sub3A_798, %mul3A_799 : i32
      %add3A_801 = arith.constant 4 : i32
      %add3A_802 = arith.addi %mul3A_800, %add3A_801 : i32
      %mul3A_803 = arith.constant 128 : i32
      %mul3A_804 = arith.muli %add3A_802, %mul3A_803 : i32
      %add3A_805 = arith.addi %mul3A_2, %mul3A_804 : i32
      %dma_start3A_806 = arith.constant 4 : i32
      %dma_start3A_807 = arith.constant 0 : i32
      %dma_start3A_808 = arith.constant 0 : i32
      %dma_start3A_809 = tpu.memref_slice %arg9[%dma_start3A_806, %dma_start3A_807, %dma_start3A_808] : memref<5x128x128xf32, #tpu.memory_space<vmem>> -> memref<1x128x128xf32, #tpu.memory_space<vmem>>
      %dma_start3A_810 = tpu.memref_squeeze %dma_start3A_809 : memref<1x128x128xf32, #tpu.memory_space<vmem>> -> memref<128x128xf32, #tpu.memory_space<vmem>>
      %dma_start3A_811 = arith.constant 0 : i32
      %dma_start3A_812 = tpu.memref_slice %arg5[%add3A_805, %dma_start3A_811] : memref<409600x128xf32, #tpu.memory_space<hbm>> -> memref<128x128xf32, #tpu.memory_space<hbm>>
      %dma_start3A_813 = arith.constant 0 : i32
      %dma_start3A_814 = tpu.memref_slice %arg5[%add3A_805, %dma_start3A_813] : memref<409600x128xf32, #tpu.memory_space<hbm>> -> memref<128x128xf32, #tpu.memory_space<hbm>>
      %dma_start3A_815 = arith.constant 0 : i32
      %dma_start3A_816 = arith.constant 0 : i32
      %dma_start3A_817 = tpu.memref_slice %arg9[%dma_start3A_806, %dma_start3A_815, %dma_start3A_816] : memref<5x128x128xf32, #tpu.memory_space<vmem>> -> memref<1x128x128xf32, #tpu.memory_space<vmem>>
      %dma_start3A_818 = tpu.memref_squeeze %dma_start3A_817 : memref<1x128x128xf32, #tpu.memory_space<vmem>> -> memref<128x128xf32, #tpu.memory_space<vmem>>
      tpu.enqueue_dma source(%dma_start3A_818 : memref<128x128xf32, #tpu.memory_space<vmem>>) target(%dma_start3A_814 : memref<128x128xf32, #tpu.memory_space<hbm>>) target_semaphore(%arg19 : memref<!tpu.dma_semaphore, #tpu.memory_space<semaphore_mem>>)
      %dma_wait3A_819 = arith.constant 2 : i32
      %dma_wait3A_820 = arith.constant 0 : i32
      %dma_wait3A_821 = arith.constant 0 : i32
      %dma_wait3A_822 = tpu.memref_slice %arg9[%dma_wait3A_819, %dma_wait3A_820, %dma_wait3A_821] : memref<5x128x128xf32, #tpu.memory_space<vmem>> -> memref<1x128x128xf32, #tpu.memory_space<vmem>>
      %dma_wait3A_823 = tpu.memref_squeeze %dma_wait3A_822 : memref<1x128x128xf32, #tpu.memory_space<vmem>> -> memref<128x128xf32, #tpu.memory_space<vmem>>
      %dma_wait3A_824 = arith.constant 0 : i32
      %dma_wait3A_825 = tpu.memref_slice %arg5[%mul3A_2, %dma_wait3A_824] : memref<409600x128xf32, #tpu.memory_space<hbm>> -> memref<128x128xf32, #tpu.memory_space<hbm>>
      %dma_wait3A_826 = arith.constant 0 : i32
      %dma_wait3A_827 = tpu.memref_slice %arg5[%mul3A_2, %dma_wait3A_826] : memref<409600x128xf32, #tpu.memory_space<hbm>> -> memref<128x128xf32, #tpu.memory_space<hbm>>
      %dma_wait3A_828 = arith.constant 0 : i32
      %dma_wait3A_829 = arith.constant 0 : i32
      %dma_wait3A_830 = tpu.memref_slice %arg9[%dma_wait3A_819, %dma_wait3A_828, %dma_wait3A_829] : memref<5x128x128xf32, #tpu.memory_space<vmem>> -> memref<1x128x128xf32, #tpu.memory_space<vmem>>
      %dma_wait3A_831 = tpu.memref_squeeze %dma_wait3A_830 : memref<1x128x128xf32, #tpu.memory_space<vmem>> -> memref<128x128xf32, #tpu.memory_space<vmem>>
      tpu.wait_dma2 semaphore(%arg17 : memref<!tpu.dma_semaphore, #tpu.memory_space<semaphore_mem>>) src(%dma_wait3A_831 : memref<128x128xf32, #tpu.memory_space<vmem>>) dst(%dma_wait3A_827 : memref<128x128xf32, #tpu.memory_space<hbm>>)
      %mul3A_832 = arith.constant 5 : i32
      %mul3A_833 = arith.muli %scan3A_578, %mul3A_832 : i32
      %add3A_834 = arith.constant 2 : i32
      %add3A_835 = arith.addi %mul3A_833, %add3A_834 : i32
      %dma_start3A_836 = arith.constant 2 : i32
      %dma_start3A_837 = arith.constant 0 : i32
      %dma_start3A_838 = arith.constant 0 : i32
      %dma_start3A_839 = tpu.memref_slice %arg9[%dma_start3A_836, %dma_start3A_837, %dma_start3A_838] : memref<5x128x128xf32, #tpu.memory_space<vmem>> -> memref<1x128x128xf32, #tpu.memory_space<vmem>>
      %dma_start3A_840 = tpu.memref_squeeze %dma_start3A_839 : memref<1x128x128xf32, #tpu.memory_space<vmem>> -> memref<128x128xf32, #tpu.memory_space<vmem>>
      %dma_start3A_841 = arith.constant 0 : i32
      %dma_start3A_842 = tpu.memref_slice %arg7[%add3A_835, %dma_start3A_841] : memref<100x128xi32, #tpu.memory_space<vmem>> -> memref<1x128xi32, #tpu.memory_space<vmem>>
      %dma_start3A_843 = tpu.memref_squeeze %dma_start3A_842 : memref<1x128xi32, #tpu.memory_space<vmem>> -> memref<128xi32, #tpu.memory_space<vmem>>
      %dma_start3A_844 = arith.constant 0 : i32
      %dma_start3A_845 = arith.constant 0 : i32
      %dma_start3A_846 = tpu.memref_slice %arg4[%dma_start3A_844, %dma_start3A_845] : memref<100000x128xf32, #tpu.memory_space<hbm>> -> memref<100000x128xf32, #tpu.memory_space<hbm>>
      tpu.enqueue_indirect_dma source(%dma_start3A_846 : memref<100000x128xf32, #tpu.memory_space<hbm>>) target(%dma_start3A_840 : memref<128x128xf32, #tpu.memory_space<vmem>>) offsets(%dma_start3A_843 : memref<128xi32, #tpu.memory_space<vmem>>) semaphore(%arg12 : memref<!tpu.dma_semaphore, #tpu.memory_space<semaphore_mem>>)
      %dma_wait3A_847 = arith.constant 3 : i32
      %dma_wait3A_848 = arith.constant 0 : i32
      %dma_wait3A_849 = arith.constant 0 : i32
      %dma_wait3A_850 = tpu.memref_slice %arg9[%dma_wait3A_847, %dma_wait3A_848, %dma_wait3A_849] : memref<5x128x128xf32, #tpu.memory_space<vmem>> -> memref<1x128x128xf32, #tpu.memory_space<vmem>>
      %dma_wait3A_851 = tpu.memref_squeeze %dma_wait3A_850 : memref<1x128x128xf32, #tpu.memory_space<vmem>> -> memref<128x128xf32, #tpu.memory_space<vmem>>
      %dma_wait3A_852 = arith.constant 0 : i32
      %dma_wait3A_853 = tpu.memref_slice %arg5[%mul3A_2, %dma_wait3A_852] : memref<409600x128xf32, #tpu.memory_space<hbm>> -> memref<128x128xf32, #tpu.memory_space<hbm>>
      %dma_wait3A_854 = arith.constant 0 : i32
      %dma_wait3A_855 = tpu.memref_slice %arg5[%mul3A_2, %dma_wait3A_854] : memref<409600x128xf32, #tpu.memory_space<hbm>> -> memref<128x128xf32, #tpu.memory_space<hbm>>
      %dma_wait3A_856 = arith.constant 0 : i32
      %dma_wait3A_857 = arith.constant 0 : i32
      %dma_wait3A_858 = tpu.memref_slice %arg9[%dma_wait3A_847, %dma_wait3A_856, %dma_wait3A_857] : memref<5x128x128xf32, #tpu.memory_space<vmem>> -> memref<1x128x128xf32, #tpu.memory_space<vmem>>
      %dma_wait3A_859 = tpu.memref_squeeze %dma_wait3A_858 : memref<1x128x128xf32, #tpu.memory_space<vmem>> -> memref<128x128xf32, #tpu.memory_space<vmem>>
      tpu.wait_dma2 semaphore(%arg18 : memref<!tpu.dma_semaphore, #tpu.memory_space<semaphore_mem>>) src(%dma_wait3A_859 : memref<128x128xf32, #tpu.memory_space<vmem>>) dst(%dma_wait3A_855 : memref<128x128xf32, #tpu.memory_space<hbm>>)
      %mul3A_860 = arith.constant 5 : i32
      %mul3A_861 = arith.muli %scan3A_578, %mul3A_860 : i32
      %add3A_862 = arith.constant 3 : i32
      %add3A_863 = arith.addi %mul3A_861, %add3A_862 : i32
      %dma_start3A_864 = arith.constant 3 : i32
      %dma_start3A_865 = arith.constant 0 : i32
      %dma_start3A_866 = arith.constant 0 : i32
      %dma_start3A_867 = tpu.memref_slice %arg9[%dma_start3A_864, %dma_start3A_865, %dma_start3A_866] : memref<5x128x128xf32, #tpu.memory_space<vmem>> -> memref<1x128x128xf32, #tpu.memory_space<vmem>>
      %dma_start3A_868 = tpu.memref_squeeze %dma_start3A_867 : memref<1x128x128xf32, #tpu.memory_space<vmem>> -> memref<128x128xf32, #tpu.memory_space<vmem>>
      %dma_start3A_869 = arith.constant 0 : i32
      %dma_start3A_870 = tpu.memref_slice %arg7[%add3A_863, %dma_start3A_869] : memref<100x128xi32, #tpu.memory_space<vmem>> -> memref<1x128xi32, #tpu.memory_space<vmem>>
      %dma_start3A_871 = tpu.memref_squeeze %dma_start3A_870 : memref<1x128xi32, #tpu.memory_space<vmem>> -> memref<128xi32, #tpu.memory_space<vmem>>
      %dma_start3A_872 = arith.constant 0 : i32
      %dma_start3A_873 = arith.constant 0 : i32
      %dma_start3A_874 = tpu.memref_slice %arg4[%dma_start3A_872, %dma_start3A_873] : memref<100000x128xf32, #tpu.memory_space<hbm>> -> memref<100000x128xf32, #tpu.memory_space<hbm>>
      tpu.enqueue_indirect_dma source(%dma_start3A_874 : memref<100000x128xf32, #tpu.memory_space<hbm>>) target(%dma_start3A_868 : memref<128x128xf32, #tpu.memory_space<vmem>>) offsets(%dma_start3A_871 : memref<128xi32, #tpu.memory_space<vmem>>) semaphore(%arg13 : memref<!tpu.dma_semaphore, #tpu.memory_space<semaphore_mem>>)
      %dma_wait3A_875 = arith.constant 4 : i32
      %dma_wait3A_876 = arith.constant 0 : i32
      %dma_wait3A_877 = arith.constant 0 : i32
      %dma_wait3A_878 = tpu.memref_slice %arg9[%dma_wait3A_875, %dma_wait3A_876, %dma_wait3A_877] : memref<5x128x128xf32, #tpu.memory_space<vmem>> -> memref<1x128x128xf32, #tpu.memory_space<vmem>>
      %dma_wait3A_879 = tpu.memref_squeeze %dma_wait3A_878 : memref<1x128x128xf32, #tpu.memory_space<vmem>> -> memref<128x128xf32, #tpu.memory_space<vmem>>
      %dma_wait3A_880 = arith.constant 0 : i32
      %dma_wait3A_881 = tpu.memref_slice %arg5[%mul3A_2, %dma_wait3A_880] : memref<409600x128xf32, #tpu.memory_space<hbm>> -> memref<128x128xf32, #tpu.memory_space<hbm>>
      %dma_wait3A_882 = arith.constant 0 : i32
      %dma_wait3A_883 = tpu.memref_slice %arg5[%mul3A_2, %dma_wait3A_882] : memref<409600x128xf32, #tpu.memory_space<hbm>> -> memref<128x128xf32, #tpu.memory_space<hbm>>
      %dma_wait3A_884 = arith.constant 0 : i32
      %dma_wait3A_885 = arith.constant 0 : i32
      %dma_wait3A_886 = tpu.memref_slice %arg9[%dma_wait3A_875, %dma_wait3A_884, %dma_wait3A_885] : memref<5x128x128xf32, #tpu.memory_space<vmem>> -> memref<1x128x128xf32, #tpu.memory_space<vmem>>
      %dma_wait3A_887 = tpu.memref_squeeze %dma_wait3A_886 : memref<1x128x128xf32, #tpu.memory_space<vmem>> -> memref<128x128xf32, #tpu.memory_space<vmem>>
      tpu.wait_dma2 semaphore(%arg19 : memref<!tpu.dma_semaphore, #tpu.memory_space<semaphore_mem>>) src(%dma_wait3A_887 : memref<128x128xf32, #tpu.memory_space<vmem>>) dst(%dma_wait3A_883 : memref<128x128xf32, #tpu.memory_space<hbm>>)
      %mul3A_888 = arith.constant 5 : i32
      %mul3A_889 = arith.muli %scan3A_578, %mul3A_888 : i32
      %add3A_890 = arith.constant 4 : i32
      %add3A_891 = arith.addi %mul3A_889, %add3A_890 : i32
      %dma_start3A_892 = arith.constant 4 : i32
      %dma_start3A_893 = arith.constant 0 : i32
      %dma_start3A_894 = arith.constant 0 : i32
      %dma_start3A_895 = tpu.memref_slice %arg9[%dma_start3A_892, %dma_start3A_893, %dma_start3A_894] : memref<5x128x128xf32, #tpu.memory_space<vmem>> -> memref<1x128x128xf32, #tpu.memory_space<vmem>>
      %dma_start3A_896 = tpu.memref_squeeze %dma_start3A_895 : memref<1x128x128xf32, #tpu.memory_space<vmem>> -> memref<128x128xf32, #tpu.memory_space<vmem>>
      %dma_start3A_897 = arith.constant 0 : i32
      %dma_start3A_898 = tpu.memref_slice %arg7[%add3A_891, %dma_start3A_897] : memref<100x128xi32, #tpu.memory_space<vmem>> -> memref<1x128xi32, #tpu.memory_space<vmem>>
      %dma_start3A_899 = tpu.memref_squeeze %dma_start3A_898 : memref<1x128xi32, #tpu.memory_space<vmem>> -> memref<128xi32, #tpu.memory_space<vmem>>
      %dma_start3A_900 = arith.constant 0 : i32
      %dma_start3A_901 = arith.constant 0 : i32
      %dma_start3A_902 = tpu.memref_slice %arg4[%dma_start3A_900, %dma_start3A_901] : memref<100000x128xf32, #tpu.memory_space<hbm>> -> memref<100000x128xf32, #tpu.memory_space<hbm>>
      tpu.enqueue_indirect_dma source(%dma_start3A_902 : memref<100000x128xf32, #tpu.memory_space<hbm>>) target(%dma_start3A_896 : memref<128x128xf32, #tpu.memory_space<vmem>>) offsets(%dma_start3A_899 : memref<128xi32, #tpu.memory_space<vmem>>) semaphore(%arg14 : memref<!tpu.dma_semaphore, #tpu.memory_space<semaphore_mem>>)
    }
    %scan3A_74 = arith.constant 19 : i32
    %dma_wait3A = arith.constant 0 : i32
    %dma_wait3A_75 = arith.constant 0 : i32
    %dma_wait3A_76 = tpu.memref_slice %arg3[%add3A, %dma_wait3A, %dma_wait3A_75] : memref<32x100x128xi32, #tpu.memory_space<hbm>> -> memref<1x100x128xi32, #tpu.memory_space<hbm>>
    %dma_wait3A_77 = tpu.memref_squeeze %dma_wait3A_76 : memref<1x100x128xi32, #tpu.memory_space<hbm>> -> memref<100x128xi32, #tpu.memory_space<hbm>>
    %dma_wait3A_78 = arith.constant 0 : i32
    %dma_wait3A_79 = arith.constant 0 : i32
    %dma_wait3A_80 = tpu.memref_slice %arg3[%add3A, %dma_wait3A_78, %dma_wait3A_79] : memref<32x100x128xi32, #tpu.memory_space<hbm>> -> memref<1x100x128xi32, #tpu.memory_space<hbm>>
    %dma_wait3A_81 = tpu.memref_squeeze %dma_wait3A_80 : memref<1x100x128xi32, #tpu.memory_space<hbm>> -> memref<100x128xi32, #tpu.memory_space<hbm>>
    tpu.wait_dma2 semaphore(%arg20 : memref<!tpu.dma_semaphore, #tpu.memory_space<semaphore_mem>>) src(%dma_wait3A_81 : memref<100x128xi32, #tpu.memory_space<hbm>>) dst(%arg8 : memref<100x128xi32, #tpu.memory_space<vmem>>)
    %dma_wait3A_82 = arith.constant 0 : i32
    %dma_wait3A_83 = arith.constant 0 : i32
    %dma_wait3A_84 = arith.constant 0 : i32
    %dma_wait3A_85 = tpu.memref_slice %arg9[%dma_wait3A_82, %dma_wait3A_83, %dma_wait3A_84] : memref<5x128x128xf32, #tpu.memory_space<vmem>> -> memref<1x128x128xf32, #tpu.memory_space<vmem>>
    %dma_wait3A_86 = tpu.memref_squeeze %dma_wait3A_85 : memref<1x128x128xf32, #tpu.memory_space<vmem>> -> memref<128x128xf32, #tpu.memory_space<vmem>>
    %dma_wait3A_87 = arith.constant 0 : i32
    %dma_wait3A_88 = arith.constant 0 : i32
    %dma_wait3A_89 = tpu.memref_slice %arg4[%dma_wait3A_87, %dma_wait3A_88] : memref<100000x128xf32, #tpu.memory_space<hbm>> -> memref<128x128xf32, #tpu.memory_space<hbm>>
    %dma_wait3A_90 = arith.constant 0 : i32
    %dma_wait3A_91 = arith.constant 0 : i32
    %dma_wait3A_92 = tpu.memref_slice %arg9[%dma_wait3A_82, %dma_wait3A_90, %dma_wait3A_91] : memref<5x128x128xf32, #tpu.memory_space<vmem>> -> memref<1x128x128xf32, #tpu.memory_space<vmem>>
    %dma_wait3A_93 = tpu.memref_squeeze %dma_wait3A_92 : memref<1x128x128xf32, #tpu.memory_space<vmem>> -> memref<128x128xf32, #tpu.memory_space<vmem>>
    %dma_wait3A_94 = arith.constant 0 : i32
    %dma_wait3A_95 = arith.constant 0 : i32
    %dma_wait3A_96 = tpu.memref_slice %arg4[%dma_wait3A_94, %dma_wait3A_95] : memref<100000x128xf32, #tpu.memory_space<hbm>> -> memref<128x128xf32, #tpu.memory_space<hbm>>
    tpu.wait_dma2 semaphore(%arg10 : memref<!tpu.dma_semaphore, #tpu.memory_space<semaphore_mem>>) src(%dma_wait3A_96 : memref<128x128xf32, #tpu.memory_space<hbm>>) dst(%dma_wait3A_93 : memref<128x128xf32, #tpu.memory_space<vmem>>)
    %add3A_97 = arith.constant 12160 : i32
    %add3A_98 = arith.addi %mul3A_2, %add3A_97 : i32
    %dma_start3A_99 = arith.constant 0 : i32
    %dma_start3A_100 = arith.constant 0 : i32
    %dma_start3A_101 = arith.constant 0 : i32
    %dma_start3A_102 = tpu.memref_slice %arg9[%dma_start3A_99, %dma_start3A_100, %dma_start3A_101] : memref<5x128x128xf32, #tpu.memory_space<vmem>> -> memref<1x128x128xf32, #tpu.memory_space<vmem>>
    %dma_start3A_103 = tpu.memref_squeeze %dma_start3A_102 : memref<1x128x128xf32, #tpu.memory_space<vmem>> -> memref<128x128xf32, #tpu.memory_space<vmem>>
    %dma_start3A_104 = arith.constant 0 : i32
    %dma_start3A_105 = tpu.memref_slice %arg5[%add3A_98, %dma_start3A_104] : memref<409600x128xf32, #tpu.memory_space<hbm>> -> memref<128x128xf32, #tpu.memory_space<hbm>>
    %dma_start3A_106 = arith.constant 0 : i32
    %dma_start3A_107 = tpu.memref_slice %arg5[%add3A_98, %dma_start3A_106] : memref<409600x128xf32, #tpu.memory_space<hbm>> -> memref<128x128xf32, #tpu.memory_space<hbm>>
    %dma_start3A_108 = arith.constant 0 : i32
    %dma_start3A_109 = arith.constant 0 : i32
    %dma_start3A_110 = tpu.memref_slice %arg9[%dma_start3A_99, %dma_start3A_108, %dma_start3A_109] : memref<5x128x128xf32, #tpu.memory_space<vmem>> -> memref<1x128x128xf32, #tpu.memory_space<vmem>>
    %dma_start3A_111 = tpu.memref_squeeze %dma_start3A_110 : memref<1x128x128xf32, #tpu.memory_space<vmem>> -> memref<128x128xf32, #tpu.memory_space<vmem>>
    tpu.enqueue_dma source(%dma_start3A_111 : memref<128x128xf32, #tpu.memory_space<vmem>>) target(%dma_start3A_107 : memref<128x128xf32, #tpu.memory_space<hbm>>) target_semaphore(%arg15 : memref<!tpu.dma_semaphore, #tpu.memory_space<semaphore_mem>>)
    %dma_wait3A_112 = arith.constant 1 : i32
    %dma_wait3A_113 = arith.constant 0 : i32
    %dma_wait3A_114 = arith.constant 0 : i32
    %dma_wait3A_115 = tpu.memref_slice %arg9[%dma_wait3A_112, %dma_wait3A_113, %dma_wait3A_114] : memref<5x128x128xf32, #tpu.memory_space<vmem>> -> memref<1x128x128xf32, #tpu.memory_space<vmem>>
    %dma_wait3A_116 = tpu.memref_squeeze %dma_wait3A_115 : memref<1x128x128xf32, #tpu.memory_space<vmem>> -> memref<128x128xf32, #tpu.memory_space<vmem>>
    %dma_wait3A_117 = arith.constant 0 : i32
    %dma_wait3A_118 = arith.constant 0 : i32
    %dma_wait3A_119 = tpu.memref_slice %arg4[%dma_wait3A_117, %dma_wait3A_118] : memref<100000x128xf32, #tpu.memory_space<hbm>> -> memref<128x128xf32, #tpu.memory_space<hbm>>
    %dma_wait3A_120 = arith.constant 0 : i32
    %dma_wait3A_121 = arith.constant 0 : i32
    %dma_wait3A_122 = tpu.memref_slice %arg9[%dma_wait3A_112, %dma_wait3A_120, %dma_wait3A_121] : memref<5x128x128xf32, #tpu.memory_space<vmem>> -> memref<1x128x128xf32, #tpu.memory_space<vmem>>
    %dma_wait3A_123 = tpu.memref_squeeze %dma_wait3A_122 : memref<1x128x128xf32, #tpu.memory_space<vmem>> -> memref<128x128xf32, #tpu.memory_space<vmem>>
    %dma_wait3A_124 = arith.constant 0 : i32
    %dma_wait3A_125 = arith.constant 0 : i32
    %dma_wait3A_126 = tpu.memref_slice %arg4[%dma_wait3A_124, %dma_wait3A_125] : memref<100000x128xf32, #tpu.memory_space<hbm>> -> memref<128x128xf32, #tpu.memory_space<hbm>>
    tpu.wait_dma2 semaphore(%arg11 : memref<!tpu.dma_semaphore, #tpu.memory_space<semaphore_mem>>) src(%dma_wait3A_126 : memref<128x128xf32, #tpu.memory_space<hbm>>) dst(%dma_wait3A_123 : memref<128x128xf32, #tpu.memory_space<vmem>>)
    %add3A_127 = arith.constant 12288 : i32
    %add3A_128 = arith.addi %mul3A_2, %add3A_127 : i32
    %dma_start3A_129 = arith.constant 1 : i32
    %dma_start3A_130 = arith.constant 0 : i32
    %dma_start3A_131 = arith.constant 0 : i32
    %dma_start3A_132 = tpu.memref_slice %arg9[%dma_start3A_129, %dma_start3A_130, %dma_start3A_131] : memref<5x128x128xf32, #tpu.memory_space<vmem>> -> memref<1x128x128xf32, #tpu.memory_space<vmem>>
    %dma_start3A_133 = tpu.memref_squeeze %dma_start3A_132 : memref<1x128x128xf32, #tpu.memory_space<vmem>> -> memref<128x128xf32, #tpu.memory_space<vmem>>
    %dma_start3A_134 = arith.constant 0 : i32
    %dma_start3A_135 = tpu.memref_slice %arg5[%add3A_128, %dma_start3A_134] : memref<409600x128xf32, #tpu.memory_space<hbm>> -> memref<128x128xf32, #tpu.memory_space<hbm>>
    %dma_start3A_136 = arith.constant 0 : i32
    %dma_start3A_137 = tpu.memref_slice %arg5[%add3A_128, %dma_start3A_136] : memref<409600x128xf32, #tpu.memory_space<hbm>> -> memref<128x128xf32, #tpu.memory_space<hbm>>
    %dma_start3A_138 = arith.constant 0 : i32
    %dma_start3A_139 = arith.constant 0 : i32
    %dma_start3A_140 = tpu.memref_slice %arg9[%dma_start3A_129, %dma_start3A_138, %dma_start3A_139] : memref<5x128x128xf32, #tpu.memory_space<vmem>> -> memref<1x128x128xf32, #tpu.memory_space<vmem>>
    %dma_start3A_141 = tpu.memref_squeeze %dma_start3A_140 : memref<1x128x128xf32, #tpu.memory_space<vmem>> -> memref<128x128xf32, #tpu.memory_space<vmem>>
    tpu.enqueue_dma source(%dma_start3A_141 : memref<128x128xf32, #tpu.memory_space<vmem>>) target(%dma_start3A_137 : memref<128x128xf32, #tpu.memory_space<hbm>>) target_semaphore(%arg16 : memref<!tpu.dma_semaphore, #tpu.memory_space<semaphore_mem>>)
    %dma_wait3A_142 = arith.constant 2 : i32
    %dma_wait3A_143 = arith.constant 0 : i32
    %dma_wait3A_144 = arith.constant 0 : i32
    %dma_wait3A_145 = tpu.memref_slice %arg9[%dma_wait3A_142, %dma_wait3A_143, %dma_wait3A_144] : memref<5x128x128xf32, #tpu.memory_space<vmem>> -> memref<1x128x128xf32, #tpu.memory_space<vmem>>
    %dma_wait3A_146 = tpu.memref_squeeze %dma_wait3A_145 : memref<1x128x128xf32, #tpu.memory_space<vmem>> -> memref<128x128xf32, #tpu.memory_space<vmem>>
    %dma_wait3A_147 = arith.constant 0 : i32
    %dma_wait3A_148 = arith.constant 0 : i32
    %dma_wait3A_149 = tpu.memref_slice %arg4[%dma_wait3A_147, %dma_wait3A_148] : memref<100000x128xf32, #tpu.memory_space<hbm>> -> memref<128x128xf32, #tpu.memory_space<hbm>>
    %dma_wait3A_150 = arith.constant 0 : i32
    %dma_wait3A_151 = arith.constant 0 : i32
    %dma_wait3A_152 = tpu.memref_slice %arg9[%dma_wait3A_142, %dma_wait3A_150, %dma_wait3A_151] : memref<5x128x128xf32, #tpu.memory_space<vmem>> -> memref<1x128x128xf32, #tpu.memory_space<vmem>>
    %dma_wait3A_153 = tpu.memref_squeeze %dma_wait3A_152 : memref<1x128x128xf32, #tpu.memory_space<vmem>> -> memref<128x128xf32, #tpu.memory_space<vmem>>
    %dma_wait3A_154 = arith.constant 0 : i32
    %dma_wait3A_155 = arith.constant 0 : i32
    %dma_wait3A_156 = tpu.memref_slice %arg4[%dma_wait3A_154, %dma_wait3A_155] : memref<100000x128xf32, #tpu.memory_space<hbm>> -> memref<128x128xf32, #tpu.memory_space<hbm>>
    tpu.wait_dma2 semaphore(%arg12 : memref<!tpu.dma_semaphore, #tpu.memory_space<semaphore_mem>>) src(%dma_wait3A_156 : memref<128x128xf32, #tpu.memory_space<hbm>>) dst(%dma_wait3A_153 : memref<128x128xf32, #tpu.memory_space<vmem>>)
    %add3A_157 = arith.constant 12416 : i32
    %add3A_158 = arith.addi %mul3A_2, %add3A_157 : i32
    %dma_start3A_159 = arith.constant 2 : i32
    %dma_start3A_160 = arith.constant 0 : i32
    %dma_start3A_161 = arith.constant 0 : i32
    %dma_start3A_162 = tpu.memref_slice %arg9[%dma_start3A_159, %dma_start3A_160, %dma_start3A_161] : memref<5x128x128xf32, #tpu.memory_space<vmem>> -> memref<1x128x128xf32, #tpu.memory_space<vmem>>
    %dma_start3A_163 = tpu.memref_squeeze %dma_start3A_162 : memref<1x128x128xf32, #tpu.memory_space<vmem>> -> memref<128x128xf32, #tpu.memory_space<vmem>>
    %dma_start3A_164 = arith.constant 0 : i32
    %dma_start3A_165 = tpu.memref_slice %arg5[%add3A_158, %dma_start3A_164] : memref<409600x128xf32, #tpu.memory_space<hbm>> -> memref<128x128xf32, #tpu.memory_space<hbm>>
    %dma_start3A_166 = arith.constant 0 : i32
    %dma_start3A_167 = tpu.memref_slice %arg5[%add3A_158, %dma_start3A_166] : memref<409600x128xf32, #tpu.memory_space<hbm>> -> memref<128x128xf32, #tpu.memory_space<hbm>>
    %dma_start3A_168 = arith.constant 0 : i32
    %dma_start3A_169 = arith.constant 0 : i32
    %dma_start3A_170 = tpu.memref_slice %arg9[%dma_start3A_159, %dma_start3A_168, %dma_start3A_169] : memref<5x128x128xf32, #tpu.memory_space<vmem>> -> memref<1x128x128xf32, #tpu.memory_space<vmem>>
    %dma_start3A_171 = tpu.memref_squeeze %dma_start3A_170 : memref<1x128x128xf32, #tpu.memory_space<vmem>> -> memref<128x128xf32, #tpu.memory_space<vmem>>
    tpu.enqueue_dma source(%dma_start3A_171 : memref<128x128xf32, #tpu.memory_space<vmem>>) target(%dma_start3A_167 : memref<128x128xf32, #tpu.memory_space<hbm>>) target_semaphore(%arg17 : memref<!tpu.dma_semaphore, #tpu.memory_space<semaphore_mem>>)
    %dma_wait3A_172 = arith.constant 0 : i32
    %dma_wait3A_173 = arith.constant 0 : i32
    %dma_wait3A_174 = arith.constant 0 : i32
    %dma_wait3A_175 = tpu.memref_slice %arg9[%dma_wait3A_172, %dma_wait3A_173, %dma_wait3A_174] : memref<5x128x128xf32, #tpu.memory_space<vmem>> -> memref<1x128x128xf32, #tpu.memory_space<vmem>>
    %dma_wait3A_176 = tpu.memref_squeeze %dma_wait3A_175 : memref<1x128x128xf32, #tpu.memory_space<vmem>> -> memref<128x128xf32, #tpu.memory_space<vmem>>
    %dma_wait3A_177 = arith.constant 0 : i32
    %dma_wait3A_178 = tpu.memref_slice %arg5[%mul3A_2, %dma_wait3A_177] : memref<409600x128xf32, #tpu.memory_space<hbm>> -> memref<128x128xf32, #tpu.memory_space<hbm>>
    %dma_wait3A_179 = arith.constant 0 : i32
    %dma_wait3A_180 = tpu.memref_slice %arg5[%mul3A_2, %dma_wait3A_179] : memref<409600x128xf32, #tpu.memory_space<hbm>> -> memref<128x128xf32, #tpu.memory_space<hbm>>
    %dma_wait3A_181 = arith.constant 0 : i32
    %dma_wait3A_182 = arith.constant 0 : i32
    %dma_wait3A_183 = tpu.memref_slice %arg9[%dma_wait3A_172, %dma_wait3A_181, %dma_wait3A_182] : memref<5x128x128xf32, #tpu.memory_space<vmem>> -> memref<1x128x128xf32, #tpu.memory_space<vmem>>
    %dma_wait3A_184 = tpu.memref_squeeze %dma_wait3A_183 : memref<1x128x128xf32, #tpu.memory_space<vmem>> -> memref<128x128xf32, #tpu.memory_space<vmem>>
    tpu.wait_dma2 semaphore(%arg15 : memref<!tpu.dma_semaphore, #tpu.memory_space<semaphore_mem>>) src(%dma_wait3A_184 : memref<128x128xf32, #tpu.memory_space<vmem>>) dst(%dma_wait3A_180 : memref<128x128xf32, #tpu.memory_space<hbm>>)
    %dma_start3A_185 = arith.constant 0 : i32
    %dma_start3A_186 = arith.constant 0 : i32
    %dma_start3A_187 = arith.constant 0 : i32
    %dma_start3A_188 = arith.constant 0 : i32
    %dma_start3A_189 = tpu.memref_slice %arg9[%dma_start3A_186, %dma_start3A_187, %dma_start3A_188] : memref<5x128x128xf32, #tpu.memory_space<vmem>> -> memref<1x128x128xf32, #tpu.memory_space<vmem>>
    %dma_start3A_190 = tpu.memref_squeeze %dma_start3A_189 : memref<1x128x128xf32, #tpu.memory_space<vmem>> -> memref<128x128xf32, #tpu.memory_space<vmem>>
    %dma_start3A_191 = arith.constant 0 : i32
    %dma_start3A_192 = tpu.memref_slice %arg8[%dma_start3A_185, %dma_start3A_191] : memref<100x128xi32, #tpu.memory_space<vmem>> -> memref<1x128xi32, #tpu.memory_space<vmem>>
    %dma_start3A_193 = tpu.memref_squeeze %dma_start3A_192 : memref<1x128xi32, #tpu.memory_space<vmem>> -> memref<128xi32, #tpu.memory_space<vmem>>
    %dma_start3A_194 = arith.constant 0 : i32
    %dma_start3A_195 = arith.constant 0 : i32
    %dma_start3A_196 = tpu.memref_slice %arg4[%dma_start3A_194, %dma_start3A_195] : memref<100000x128xf32, #tpu.memory_space<hbm>> -> memref<100000x128xf32, #tpu.memory_space<hbm>>
    tpu.enqueue_indirect_dma source(%dma_start3A_196 : memref<100000x128xf32, #tpu.memory_space<hbm>>) target(%dma_start3A_190 : memref<128x128xf32, #tpu.memory_space<vmem>>) offsets(%dma_start3A_193 : memref<128xi32, #tpu.memory_space<vmem>>) semaphore(%arg10 : memref<!tpu.dma_semaphore, #tpu.memory_space<semaphore_mem>>)
    %dma_wait3A_197 = arith.constant 3 : i32
    %dma_wait3A_198 = arith.constant 0 : i32
    %dma_wait3A_199 = arith.constant 0 : i32
    %dma_wait3A_200 = tpu.memref_slice %arg9[%dma_wait3A_197, %dma_wait3A_198, %dma_wait3A_199] : memref<5x128x128xf32, #tpu.memory_space<vmem>> -> memref<1x128x128xf32, #tpu.memory_space<vmem>>
    %dma_wait3A_201 = tpu.memref_squeeze %dma_wait3A_200 : memref<1x128x128xf32, #tpu.memory_space<vmem>> -> memref<128x128xf32, #tpu.memory_space<vmem>>
    %dma_wait3A_202 = arith.constant 0 : i32
    %dma_wait3A_203 = arith.constant 0 : i32
    %dma_wait3A_204 = tpu.memref_slice %arg4[%dma_wait3A_202, %dma_wait3A_203] : memref<100000x128xf32, #tpu.memory_space<hbm>> -> memref<128x128xf32, #tpu.memory_space<hbm>>
    %dma_wait3A_205 = arith.constant 0 : i32
    %dma_wait3A_206 = arith.constant 0 : i32
    %dma_wait3A_207 = tpu.memref_slice %arg9[%dma_wait3A_197, %dma_wait3A_205, %dma_wait3A_206] : memref<5x128x128xf32, #tpu.memory_space<vmem>> -> memref<1x128x128xf32, #tpu.memory_space<vmem>>
    %dma_wait3A_208 = tpu.memref_squeeze %dma_wait3A_207 : memref<1x128x128xf32, #tpu.memory_space<vmem>> -> memref<128x128xf32, #tpu.memory_space<vmem>>
    %dma_wait3A_209 = arith.constant 0 : i32
    %dma_wait3A_210 = arith.constant 0 : i32
    %dma_wait3A_211 = tpu.memref_slice %arg4[%dma_wait3A_209, %dma_wait3A_210] : memref<100000x128xf32, #tpu.memory_space<hbm>> -> memref<128x128xf32, #tpu.memory_space<hbm>>
    tpu.wait_dma2 semaphore(%arg13 : memref<!tpu.dma_semaphore, #tpu.memory_space<semaphore_mem>>) src(%dma_wait3A_211 : memref<128x128xf32, #tpu.memory_space<hbm>>) dst(%dma_wait3A_208 : memref<128x128xf32, #tpu.memory_space<vmem>>)
    %add3A_212 = arith.constant 12544 : i32
    %add3A_213 = arith.addi %mul3A_2, %add3A_212 : i32
    %dma_start3A_214 = arith.constant 3 : i32
    %dma_start3A_215 = arith.constant 0 : i32
    %dma_start3A_216 = arith.constant 0 : i32
    %dma_start3A_217 = tpu.memref_slice %arg9[%dma_start3A_214, %dma_start3A_215, %dma_start3A_216] : memref<5x128x128xf32, #tpu.memory_space<vmem>> -> memref<1x128x128xf32, #tpu.memory_space<vmem>>
    %dma_start3A_218 = tpu.memref_squeeze %dma_start3A_217 : memref<1x128x128xf32, #tpu.memory_space<vmem>> -> memref<128x128xf32, #tpu.memory_space<vmem>>
    %dma_start3A_219 = arith.constant 0 : i32
    %dma_start3A_220 = tpu.memref_slice %arg5[%add3A_213, %dma_start3A_219] : memref<409600x128xf32, #tpu.memory_space<hbm>> -> memref<128x128xf32, #tpu.memory_space<hbm>>
    %dma_start3A_221 = arith.constant 0 : i32
    %dma_start3A_222 = tpu.memref_slice %arg5[%add3A_213, %dma_start3A_221] : memref<409600x128xf32, #tpu.memory_space<hbm>> -> memref<128x128xf32, #tpu.memory_space<hbm>>
    %dma_start3A_223 = arith.constant 0 : i32
    %dma_start3A_224 = arith.constant 0 : i32
    %dma_start3A_225 = tpu.memref_slice %arg9[%dma_start3A_214, %dma_start3A_223, %dma_start3A_224] : memref<5x128x128xf32, #tpu.memory_space<vmem>> -> memref<1x128x128xf32, #tpu.memory_space<vmem>>
    %dma_start3A_226 = tpu.memref_squeeze %dma_start3A_225 : memref<1x128x128xf32, #tpu.memory_space<vmem>> -> memref<128x128xf32, #tpu.memory_space<vmem>>
    tpu.enqueue_dma source(%dma_start3A_226 : memref<128x128xf32, #tpu.memory_space<vmem>>) target(%dma_start3A_222 : memref<128x128xf32, #tpu.memory_space<hbm>>) target_semaphore(%arg18 : memref<!tpu.dma_semaphore, #tpu.memory_space<semaphore_mem>>)
    %dma_wait3A_227 = arith.constant 1 : i32
    %dma_wait3A_228 = arith.constant 0 : i32
    %dma_wait3A_229 = arith.constant 0 : i32
    %dma_wait3A_230 = tpu.memref_slice %arg9[%dma_wait3A_227, %dma_wait3A_228, %dma_wait3A_229] : memref<5x128x128xf32, #tpu.memory_space<vmem>> -> memref<1x128x128xf32, #tpu.memory_space<vmem>>
    %dma_wait3A_231 = tpu.memref_squeeze %dma_wait3A_230 : memref<1x128x128xf32, #tpu.memory_space<vmem>> -> memref<128x128xf32, #tpu.memory_space<vmem>>
    %dma_wait3A_232 = arith.constant 0 : i32
    %dma_wait3A_233 = tpu.memref_slice %arg5[%mul3A_2, %dma_wait3A_232] : memref<409600x128xf32, #tpu.memory_space<hbm>> -> memref<128x128xf32, #tpu.memory_space<hbm>>
    %dma_wait3A_234 = arith.constant 0 : i32
    %dma_wait3A_235 = tpu.memref_slice %arg5[%mul3A_2, %dma_wait3A_234] : memref<409600x128xf32, #tpu.memory_space<hbm>> -> memref<128x128xf32, #tpu.memory_space<hbm>>
    %dma_wait3A_236 = arith.constant 0 : i32
    %dma_wait3A_237 = arith.constant 0 : i32
    %dma_wait3A_238 = tpu.memref_slice %arg9[%dma_wait3A_227, %dma_wait3A_236, %dma_wait3A_237] : memref<5x128x128xf32, #tpu.memory_space<vmem>> -> memref<1x128x128xf32, #tpu.memory_space<vmem>>
    %dma_wait3A_239 = tpu.memref_squeeze %dma_wait3A_238 : memref<1x128x128xf32, #tpu.memory_space<vmem>> -> memref<128x128xf32, #tpu.memory_space<vmem>>
    tpu.wait_dma2 semaphore(%arg16 : memref<!tpu.dma_semaphore, #tpu.memory_space<semaphore_mem>>) src(%dma_wait3A_239 : memref<128x128xf32, #tpu.memory_space<vmem>>) dst(%dma_wait3A_235 : memref<128x128xf32, #tpu.memory_space<hbm>>)
    %dma_start3A_240 = arith.constant 1 : i32
    %dma_start3A_241 = arith.constant 1 : i32
    %dma_start3A_242 = arith.constant 0 : i32
    %dma_start3A_243 = arith.constant 0 : i32
    %dma_start3A_244 = tpu.memref_slice %arg9[%dma_start3A_241, %dma_start3A_242, %dma_start3A_243] : memref<5x128x128xf32, #tpu.memory_space<vmem>> -> memref<1x128x128xf32, #tpu.memory_space<vmem>>
    %dma_start3A_245 = tpu.memref_squeeze %dma_start3A_244 : memref<1x128x128xf32, #tpu.memory_space<vmem>> -> memref<128x128xf32, #tpu.memory_space<vmem>>
    %dma_start3A_246 = arith.constant 0 : i32
    %dma_start3A_247 = tpu.memref_slice %arg8[%dma_start3A_240, %dma_start3A_246] : memref<100x128xi32, #tpu.memory_space<vmem>> -> memref<1x128xi32, #tpu.memory_space<vmem>>
    %dma_start3A_248 = tpu.memref_squeeze %dma_start3A_247 : memref<1x128xi32, #tpu.memory_space<vmem>> -> memref<128xi32, #tpu.memory_space<vmem>>
    %dma_start3A_249 = arith.constant 0 : i32
    %dma_start3A_250 = arith.constant 0 : i32
    %dma_start3A_251 = tpu.memref_slice %arg4[%dma_start3A_249, %dma_start3A_250] : memref<100000x128xf32, #tpu.memory_space<hbm>> -> memref<100000x128xf32, #tpu.memory_space<hbm>>
    tpu.enqueue_indirect_dma source(%dma_start3A_251 : memref<100000x128xf32, #tpu.memory_space<hbm>>) target(%dma_start3A_245 : memref<128x128xf32, #tpu.memory_space<vmem>>) offsets(%dma_start3A_248 : memref<128xi32, #tpu.memory_space<vmem>>) semaphore(%arg11 : memref<!tpu.dma_semaphore, #tpu.memory_space<semaphore_mem>>)
    %dma_wait3A_252 = arith.constant 4 : i32
    %dma_wait3A_253 = arith.constant 0 : i32
    %dma_wait3A_254 = arith.constant 0 : i32
    %dma_wait3A_255 = tpu.memref_slice %arg9[%dma_wait3A_252, %dma_wait3A_253, %dma_wait3A_254] : memref<5x128x128xf32, #tpu.memory_space<vmem>> -> memref<1x128x128xf32, #tpu.memory_space<vmem>>
    %dma_wait3A_256 = tpu.memref_squeeze %dma_wait3A_255 : memref<1x128x128xf32, #tpu.memory_space<vmem>> -> memref<128x128xf32, #tpu.memory_space<vmem>>
    %dma_wait3A_257 = arith.constant 0 : i32
    %dma_wait3A_258 = arith.constant 0 : i32
    %dma_wait3A_259 = tpu.memref_slice %arg4[%dma_wait3A_257, %dma_wait3A_258] : memref<100000x128xf32, #tpu.memory_space<hbm>> -> memref<128x128xf32, #tpu.memory_space<hbm>>
    %dma_wait3A_260 = arith.constant 0 : i32
    %dma_wait3A_261 = arith.constant 0 : i32
    %dma_wait3A_262 = tpu.memref_slice %arg9[%dma_wait3A_252, %dma_wait3A_260, %dma_wait3A_261] : memref<5x128x128xf32, #tpu.memory_space<vmem>> -> memref<1x128x128xf32, #tpu.memory_space<vmem>>
    %dma_wait3A_263 = tpu.memref_squeeze %dma_wait3A_262 : memref<1x128x128xf32, #tpu.memory_space<vmem>> -> memref<128x128xf32, #tpu.memory_space<vmem>>
    %dma_wait3A_264 = arith.constant 0 : i32
    %dma_wait3A_265 = arith.constant 0 : i32
    %dma_wait3A_266 = tpu.memref_slice %arg4[%dma_wait3A_264, %dma_wait3A_265] : memref<100000x128xf32, #tpu.memory_space<hbm>> -> memref<128x128xf32, #tpu.memory_space<hbm>>
    tpu.wait_dma2 semaphore(%arg14 : memref<!tpu.dma_semaphore, #tpu.memory_space<semaphore_mem>>) src(%dma_wait3A_266 : memref<128x128xf32, #tpu.memory_space<hbm>>) dst(%dma_wait3A_263 : memref<128x128xf32, #tpu.memory_space<vmem>>)
    %add3A_267 = arith.constant 12672 : i32
    %add3A_268 = arith.addi %mul3A_2, %add3A_267 : i32
    %dma_start3A_269 = arith.constant 4 : i32
    %dma_start3A_270 = arith.constant 0 : i32
    %dma_start3A_271 = arith.constant 0 : i32
    %dma_start3A_272 = tpu.memref_slice %arg9[%dma_start3A_269, %dma_start3A_270, %dma_start3A_271] : memref<5x128x128xf32, #tpu.memory_space<vmem>> -> memref<1x128x128xf32, #tpu.memory_space<vmem>>
    %dma_start3A_273 = tpu.memref_squeeze %dma_start3A_272 : memref<1x128x128xf32, #tpu.memory_space<vmem>> -> memref<128x128xf32, #tpu.memory_space<vmem>>
    %dma_start3A_274 = arith.constant 0 : i32
    %dma_start3A_275 = tpu.memref_slice %arg5[%add3A_268, %dma_start3A_274] : memref<409600x128xf32, #tpu.memory_space<hbm>> -> memref<128x128xf32, #tpu.memory_space<hbm>>
    %dma_start3A_276 = arith.constant 0 : i32
    %dma_start3A_277 = tpu.memref_slice %arg5[%add3A_268, %dma_start3A_276] : memref<409600x128xf32, #tpu.memory_space<hbm>> -> memref<128x128xf32, #tpu.memory_space<hbm>>
    %dma_start3A_278 = arith.constant 0 : i32
    %dma_start3A_279 = arith.constant 0 : i32
    %dma_start3A_280 = tpu.memref_slice %arg9[%dma_start3A_269, %dma_start3A_278, %dma_start3A_279] : memref<5x128x128xf32, #tpu.memory_space<vmem>> -> memref<1x128x128xf32, #tpu.memory_space<vmem>>
    %dma_start3A_281 = tpu.memref_squeeze %dma_start3A_280 : memref<1x128x128xf32, #tpu.memory_space<vmem>> -> memref<128x128xf32, #tpu.memory_space<vmem>>
    tpu.enqueue_dma source(%dma_start3A_281 : memref<128x128xf32, #tpu.memory_space<vmem>>) target(%dma_start3A_277 : memref<128x128xf32, #tpu.memory_space<hbm>>) target_semaphore(%arg19 : memref<!tpu.dma_semaphore, #tpu.memory_space<semaphore_mem>>)
    %dma_wait3A_282 = arith.constant 2 : i32
    %dma_wait3A_283 = arith.constant 0 : i32
    %dma_wait3A_284 = arith.constant 0 : i32
    %dma_wait3A_285 = tpu.memref_slice %arg9[%dma_wait3A_282, %dma_wait3A_283, %dma_wait3A_284] : memref<5x128x128xf32, #tpu.memory_space<vmem>> -> memref<1x128x128xf32, #tpu.memory_space<vmem>>
    %dma_wait3A_286 = tpu.memref_squeeze %dma_wait3A_285 : memref<1x128x128xf32, #tpu.memory_space<vmem>> -> memref<128x128xf32, #tpu.memory_space<vmem>>
    %dma_wait3A_287 = arith.constant 0 : i32
    %dma_wait3A_288 = tpu.memref_slice %arg5[%mul3A_2, %dma_wait3A_287] : memref<409600x128xf32, #tpu.memory_space<hbm>> -> memref<128x128xf32, #tpu.memory_space<hbm>>
    %dma_wait3A_289 = arith.constant 0 : i32
    %dma_wait3A_290 = tpu.memref_slice %arg5[%mul3A_2, %dma_wait3A_289] : memref<409600x128xf32, #tpu.memory_space<hbm>> -> memref<128x128xf32, #tpu.memory_space<hbm>>
    %dma_wait3A_291 = arith.constant 0 : i32
    %dma_wait3A_292 = arith.constant 0 : i32
    %dma_wait3A_293 = tpu.memref_slice %arg9[%dma_wait3A_282, %dma_wait3A_291, %dma_wait3A_292] : memref<5x128x128xf32, #tpu.memory_space<vmem>> -> memref<1x128x128xf32, #tpu.memory_space<vmem>>
    %dma_wait3A_294 = tpu.memref_squeeze %dma_wait3A_293 : memref<1x128x128xf32, #tpu.memory_space<vmem>> -> memref<128x128xf32, #tpu.memory_space<vmem>>
    tpu.wait_dma2 semaphore(%arg17 : memref<!tpu.dma_semaphore, #tpu.memory_space<semaphore_mem>>) src(%dma_wait3A_294 : memref<128x128xf32, #tpu.memory_space<vmem>>) dst(%dma_wait3A_290 : memref<128x128xf32, #tpu.memory_space<hbm>>)
    %dma_start3A_295 = arith.constant 2 : i32
    %dma_start3A_296 = arith.constant 2 : i32
    %dma_start3A_297 = arith.constant 0 : i32
    %dma_start3A_298 = arith.constant 0 : i32
    %dma_start3A_299 = tpu.memref_slice %arg9[%dma_start3A_296, %dma_start3A_297, %dma_start3A_298] : memref<5x128x128xf32, #tpu.memory_space<vmem>> -> memref<1x128x128xf32, #tpu.memory_space<vmem>>
    %dma_start3A_300 = tpu.memref_squeeze %dma_start3A_299 : memref<1x128x128xf32, #tpu.memory_space<vmem>> -> memref<128x128xf32, #tpu.memory_space<vmem>>
    %dma_start3A_301 = arith.constant 0 : i32
    %dma_start3A_302 = tpu.memref_slice %arg8[%dma_start3A_295, %dma_start3A_301] : memref<100x128xi32, #tpu.memory_space<vmem>> -> memref<1x128xi32, #tpu.memory_space<vmem>>
    %dma_start3A_303 = tpu.memref_squeeze %dma_start3A_302 : memref<1x128xi32, #tpu.memory_space<vmem>> -> memref<128xi32, #tpu.memory_space<vmem>>
    %dma_start3A_304 = arith.constant 0 : i32
    %dma_start3A_305 = arith.constant 0 : i32
    %dma_start3A_306 = tpu.memref_slice %arg4[%dma_start3A_304, %dma_start3A_305] : memref<100000x128xf32, #tpu.memory_space<hbm>> -> memref<100000x128xf32, #tpu.memory_space<hbm>>
    tpu.enqueue_indirect_dma source(%dma_start3A_306 : memref<100000x128xf32, #tpu.memory_space<hbm>>) target(%dma_start3A_300 : memref<128x128xf32, #tpu.memory_space<vmem>>) offsets(%dma_start3A_303 : memref<128xi32, #tpu.memory_space<vmem>>) semaphore(%arg12 : memref<!tpu.dma_semaphore, #tpu.memory_space<semaphore_mem>>)
    %dma_wait3A_307 = arith.constant 3 : i32
    %dma_wait3A_308 = arith.constant 0 : i32
    %dma_wait3A_309 = arith.constant 0 : i32
    %dma_wait3A_310 = tpu.memref_slice %arg9[%dma_wait3A_307, %dma_wait3A_308, %dma_wait3A_309] : memref<5x128x128xf32, #tpu.memory_space<vmem>> -> memref<1x128x128xf32, #tpu.memory_space<vmem>>
    %dma_wait3A_311 = tpu.memref_squeeze %dma_wait3A_310 : memref<1x128x128xf32, #tpu.memory_space<vmem>> -> memref<128x128xf32, #tpu.memory_space<vmem>>
    %dma_wait3A_312 = arith.constant 0 : i32
    %dma_wait3A_313 = tpu.memref_slice %arg5[%mul3A_2, %dma_wait3A_312] : memref<409600x128xf32, #tpu.memory_space<hbm>> -> memref<128x128xf32, #tpu.memory_space<hbm>>
    %dma_wait3A_314 = arith.constant 0 : i32
    %dma_wait3A_315 = tpu.memref_slice %arg5[%mul3A_2, %dma_wait3A_314] : memref<409600x128xf32, #tpu.memory_space<hbm>> -> memref<128x128xf32, #tpu.memory_space<hbm>>
    %dma_wait3A_316 = arith.constant 0 : i32
    %dma_wait3A_317 = arith.constant 0 : i32
    %dma_wait3A_318 = tpu.memref_slice %arg9[%dma_wait3A_307, %dma_wait3A_316, %dma_wait3A_317] : memref<5x128x128xf32, #tpu.memory_space<vmem>> -> memref<1x128x128xf32, #tpu.memory_space<vmem>>
    %dma_wait3A_319 = tpu.memref_squeeze %dma_wait3A_318 : memref<1x128x128xf32, #tpu.memory_space<vmem>> -> memref<128x128xf32, #tpu.memory_space<vmem>>
    tpu.wait_dma2 semaphore(%arg18 : memref<!tpu.dma_semaphore, #tpu.memory_space<semaphore_mem>>) src(%dma_wait3A_319 : memref<128x128xf32, #tpu.memory_space<vmem>>) dst(%dma_wait3A_315 : memref<128x128xf32, #tpu.memory_space<hbm>>)
    %dma_start3A_320 = arith.constant 3 : i32
    %dma_start3A_321 = arith.constant 3 : i32
    %dma_start3A_322 = arith.constant 0 : i32
    %dma_start3A_323 = arith.constant 0 : i32
    %dma_start3A_324 = tpu.memref_slice %arg9[%dma_start3A_321, %dma_start3A_322, %dma_start3A_323] : memref<5x128x128xf32, #tpu.memory_space<vmem>> -> memref<1x128x128xf32, #tpu.memory_space<vmem>>
    %dma_start3A_325 = tpu.memref_squeeze %dma_start3A_324 : memref<1x128x128xf32, #tpu.memory_space<vmem>> -> memref<128x128xf32, #tpu.memory_space<vmem>>
    %dma_start3A_326 = arith.constant 0 : i32
    %dma_start3A_327 = tpu.memref_slice %arg8[%dma_start3A_320, %dma_start3A_326] : memref<100x128xi32, #tpu.memory_space<vmem>> -> memref<1x128xi32, #tpu.memory_space<vmem>>
    %dma_start3A_328 = tpu.memref_squeeze %dma_start3A_327 : memref<1x128xi32, #tpu.memory_space<vmem>> -> memref<128xi32, #tpu.memory_space<vmem>>
    %dma_start3A_329 = arith.constant 0 : i32
    %dma_start3A_330 = arith.constant 0 : i32
    %dma_start3A_331 = tpu.memref_slice %arg4[%dma_start3A_329, %dma_start3A_330] : memref<100000x128xf32, #tpu.memory_space<hbm>> -> memref<100000x128xf32, #tpu.memory_space<hbm>>
    tpu.enqueue_indirect_dma source(%dma_start3A_331 : memref<100000x128xf32, #tpu.memory_space<hbm>>) target(%dma_start3A_325 : memref<128x128xf32, #tpu.memory_space<vmem>>) offsets(%dma_start3A_328 : memref<128xi32, #tpu.memory_space<vmem>>) semaphore(%arg13 : memref<!tpu.dma_semaphore, #tpu.memory_space<semaphore_mem>>)
    %dma_wait3A_332 = arith.constant 4 : i32
    %dma_wait3A_333 = arith.constant 0 : i32
    %dma_wait3A_334 = arith.constant 0 : i32
    %dma_wait3A_335 = tpu.memref_slice %arg9[%dma_wait3A_332, %dma_wait3A_333, %dma_wait3A_334] : memref<5x128x128xf32, #tpu.memory_space<vmem>> -> memref<1x128x128xf32, #tpu.memory_space<vmem>>
    %dma_wait3A_336 = tpu.memref_squeeze %dma_wait3A_335 : memref<1x128x128xf32, #tpu.memory_space<vmem>> -> memref<128x128xf32, #tpu.memory_space<vmem>>
    %dma_wait3A_337 = arith.constant 0 : i32
    %dma_wait3A_338 = tpu.memref_slice %arg5[%mul3A_2, %dma_wait3A_337] : memref<409600x128xf32, #tpu.memory_space<hbm>> -> memref<128x128xf32, #tpu.memory_space<hbm>>
    %dma_wait3A_339 = arith.constant 0 : i32
    %dma_wait3A_340 = tpu.memref_slice %arg5[%mul3A_2, %dma_wait3A_339] : memref<409600x128xf32, #tpu.memory_space<hbm>> -> memref<128x128xf32, #tpu.memory_space<hbm>>
    %dma_wait3A_341 = arith.constant 0 : i32
    %dma_wait3A_342 = arith.constant 0 : i32
    %dma_wait3A_343 = tpu.memref_slice %arg9[%dma_wait3A_332, %dma_wait3A_341, %dma_wait3A_342] : memref<5x128x128xf32, #tpu.memory_space<vmem>> -> memref<1x128x128xf32, #tpu.memory_space<vmem>>
    %dma_wait3A_344 = tpu.memref_squeeze %dma_wait3A_343 : memref<1x128x128xf32, #tpu.memory_space<vmem>> -> memref<128x128xf32, #tpu.memory_space<vmem>>
    tpu.wait_dma2 semaphore(%arg19 : memref<!tpu.dma_semaphore, #tpu.memory_space<semaphore_mem>>) src(%dma_wait3A_344 : memref<128x128xf32, #tpu.memory_space<vmem>>) dst(%dma_wait3A_340 : memref<128x128xf32, #tpu.memory_space<hbm>>)
    %dma_start3A_345 = arith.constant 4 : i32
    %dma_start3A_346 = arith.constant 4 : i32
    %dma_start3A_347 = arith.constant 0 : i32
    %dma_start3A_348 = arith.constant 0 : i32
    %dma_start3A_349 = tpu.memref_slice %arg9[%dma_start3A_346, %dma_start3A_347, %dma_start3A_348] : memref<5x128x128xf32, #tpu.memory_space<vmem>> -> memref<1x128x128xf32, #tpu.memory_space<vmem>>
    %dma_start3A_350 = tpu.memref_squeeze %dma_start3A_349 : memref<1x128x128xf32, #tpu.memory_space<vmem>> -> memref<128x128xf32, #tpu.memory_space<vmem>>
    %dma_start3A_351 = arith.constant 0 : i32
    %dma_start3A_352 = tpu.memref_slice %arg8[%dma_start3A_345, %dma_start3A_351] : memref<100x128xi32, #tpu.memory_space<vmem>> -> memref<1x128xi32, #tpu.memory_space<vmem>>
    %dma_start3A_353 = tpu.memref_squeeze %dma_start3A_352 : memref<1x128xi32, #tpu.memory_space<vmem>> -> memref<128xi32, #tpu.memory_space<vmem>>
    %dma_start3A_354 = arith.constant 0 : i32
    %dma_start3A_355 = arith.constant 0 : i32
    %dma_start3A_356 = tpu.memref_slice %arg4[%dma_start3A_354, %dma_start3A_355] : memref<100000x128xf32, #tpu.memory_space<hbm>> -> memref<100000x128xf32, #tpu.memory_space<hbm>>
    tpu.enqueue_indirect_dma source(%dma_start3A_356 : memref<100000x128xf32, #tpu.memory_space<hbm>>) target(%dma_start3A_350 : memref<128x128xf32, #tpu.memory_space<vmem>>) offsets(%dma_start3A_353 : memref<128xi32, #tpu.memory_space<vmem>>) semaphore(%arg14 : memref<!tpu.dma_semaphore, #tpu.memory_space<semaphore_mem>>)
    %scan3A_357 = arith.constant 0 : i32
    %scan3A_358 = arith.constant 1 : i32
    %scan3A_359 = arith.constant 19 : i32
    %scan3A_360 = arith.addi %scan3A_358, %scan3A_359 : i32
    %scan3A_361 = arith.constant 1 : i32
    scf.for %scan3A_578 = %scan3A_358 to %scan3A_360 step %scan3A_361  : i32 {
      %dma_wait3A_579 = arith.constant 0 : i32
      %dma_wait3A_580 = arith.constant 0 : i32
      %dma_wait3A_581 = arith.constant 0 : i32
      %dma_wait3A_582 = tpu.memref_slice %arg9[%dma_wait3A_579, %dma_wait3A_580, %dma_wait3A_581] : memref<5x128x128xf32, #tpu.memory_space<vmem>> -> memref<1x128x128xf32, #tpu.memory_space<vmem>>
      %dma_wait3A_583 = tpu.memref_squeeze %dma_wait3A_582 : memref<1x128x128xf32, #tpu.memory_space<vmem>> -> memref<128x128xf32, #tpu.memory_space<vmem>>
      %dma_wait3A_584 = arith.constant 0 : i32
      %dma_wait3A_585 = arith.constant 0 : i32
      %dma_wait3A_586 = tpu.memref_slice %arg4[%dma_wait3A_584, %dma_wait3A_585] : memref<100000x128xf32, #tpu.memory_space<hbm>> -> memref<128x128xf32, #tpu.memory_space<hbm>>
      %dma_wait3A_587 = arith.constant 0 : i32
      %dma_wait3A_588 = arith.constant 0 : i32
      %dma_wait3A_589 = tpu.memref_slice %arg9[%dma_wait3A_579, %dma_wait3A_587, %dma_wait3A_588] : memref<5x128x128xf32, #tpu.memory_space<vmem>> -> memref<1x128x128xf32, #tpu.memory_space<vmem>>
      %dma_wait3A_590 = tpu.memref_squeeze %dma_wait3A_589 : memref<1x128x128xf32, #tpu.memory_space<vmem>> -> memref<128x128xf32, #tpu.memory_space<vmem>>
      %dma_wait3A_591 = arith.constant 0 : i32
      %dma_wait3A_592 = arith.constant 0 : i32
      %dma_wait3A_593 = tpu.memref_slice %arg4[%dma_wait3A_591, %dma_wait3A_592] : memref<100000x128xf32, #tpu.memory_space<hbm>> -> memref<128x128xf32, #tpu.memory_space<hbm>>
      tpu.wait_dma2 semaphore(%arg10 : memref<!tpu.dma_semaphore, #tpu.memory_space<semaphore_mem>>) src(%dma_wait3A_593 : memref<128x128xf32, #tpu.memory_space<hbm>>) dst(%dma_wait3A_590 : memref<128x128xf32, #tpu.memory_space<vmem>>)
      %sub3A = arith.constant 1 : i32
      %sub3A_594 = arith.subi %scan3A_578, %sub3A : i32
      %mul3A_595 = arith.constant 5 : i32
      %mul3A_596 = arith.muli %sub3A_594, %mul3A_595 : i32
      %add3A_597 = arith.constant 0 : i32
      %add3A_598 = arith.addi %mul3A_596, %add3A_597 : i32
      %mul3A_599 = arith.constant 128 : i32
      %mul3A_600 = arith.muli %add3A_598, %mul3A_599 : i32
      %add3A_601 = arith.addi %mul3A_2, %mul3A_600 : i32
      %dma_start3A_602 = arith.constant 0 : i32
      %dma_start3A_603 = arith.constant 0 : i32
      %dma_start3A_604 = arith.constant 0 : i32
      %dma_start3A_605 = tpu.memref_slice %arg9[%dma_start3A_602, %dma_start3A_603, %dma_start3A_604] : memref<5x128x128xf32, #tpu.memory_space<vmem>> -> memref<1x128x128xf32, #tpu.memory_space<vmem>>
      %dma_start3A_606 = tpu.memref_squeeze %dma_start3A_605 : memref<1x128x128xf32, #tpu.memory_space<vmem>> -> memref<128x128xf32, #tpu.memory_space<vmem>>
      %dma_start3A_607 = arith.constant 0 : i32
      %dma_start3A_608 = tpu.memref_slice %arg6[%add3A_601, %dma_start3A_607] : memref<409600x128xf32, #tpu.memory_space<hbm>> -> memref<128x128xf32, #tpu.memory_space<hbm>>
      %dma_start3A_609 = arith.constant 0 : i32
      %dma_start3A_610 = tpu.memref_slice %arg6[%add3A_601, %dma_start3A_609] : memref<409600x128xf32, #tpu.memory_space<hbm>> -> memref<128x128xf32, #tpu.memory_space<hbm>>
      %dma_start3A_611 = arith.constant 0 : i32
      %dma_start3A_612 = arith.constant 0 : i32
      %dma_start3A_613 = tpu.memref_slice %arg9[%dma_start3A_602, %dma_start3A_611, %dma_start3A_612] : memref<5x128x128xf32, #tpu.memory_space<vmem>> -> memref<1x128x128xf32, #tpu.memory_space<vmem>>
      %dma_start3A_614 = tpu.memref_squeeze %dma_start3A_613 : memref<1x128x128xf32, #tpu.memory_space<vmem>> -> memref<128x128xf32, #tpu.memory_space<vmem>>
      tpu.enqueue_dma source(%dma_start3A_614 : memref<128x128xf32, #tpu.memory_space<vmem>>) target(%dma_start3A_610 : memref<128x128xf32, #tpu.memory_space<hbm>>) target_semaphore(%arg15 : memref<!tpu.dma_semaphore, #tpu.memory_space<semaphore_mem>>)
      %dma_wait3A_615 = arith.constant 1 : i32
      %dma_wait3A_616 = arith.constant 0 : i32
      %dma_wait3A_617 = arith.constant 0 : i32
      %dma_wait3A_618 = tpu.memref_slice %arg9[%dma_wait3A_615, %dma_wait3A_616, %dma_wait3A_617] : memref<5x128x128xf32, #tpu.memory_space<vmem>> -> memref<1x128x128xf32, #tpu.memory_space<vmem>>
      %dma_wait3A_619 = tpu.memref_squeeze %dma_wait3A_618 : memref<1x128x128xf32, #tpu.memory_space<vmem>> -> memref<128x128xf32, #tpu.memory_space<vmem>>
      %dma_wait3A_620 = arith.constant 0 : i32
      %dma_wait3A_621 = arith.constant 0 : i32
      %dma_wait3A_622 = tpu.memref_slice %arg4[%dma_wait3A_620, %dma_wait3A_621] : memref<100000x128xf32, #tpu.memory_space<hbm>> -> memref<128x128xf32, #tpu.memory_space<hbm>>
      %dma_wait3A_623 = arith.constant 0 : i32
      %dma_wait3A_624 = arith.constant 0 : i32
      %dma_wait3A_625 = tpu.memref_slice %arg9[%dma_wait3A_615, %dma_wait3A_623, %dma_wait3A_624] : memref<5x128x128xf32, #tpu.memory_space<vmem>> -> memref<1x128x128xf32, #tpu.memory_space<vmem>>
      %dma_wait3A_626 = tpu.memref_squeeze %dma_wait3A_625 : memref<1x128x128xf32, #tpu.memory_space<vmem>> -> memref<128x128xf32, #tpu.memory_space<vmem>>
      %dma_wait3A_627 = arith.constant 0 : i32
      %dma_wait3A_628 = arith.constant 0 : i32
      %dma_wait3A_629 = tpu.memref_slice %arg4[%dma_wait3A_627, %dma_wait3A_628] : memref<100000x128xf32, #tpu.memory_space<hbm>> -> memref<128x128xf32, #tpu.memory_space<hbm>>
      tpu.wait_dma2 semaphore(%arg11 : memref<!tpu.dma_semaphore, #tpu.memory_space<semaphore_mem>>) src(%dma_wait3A_629 : memref<128x128xf32, #tpu.memory_space<hbm>>) dst(%dma_wait3A_626 : memref<128x128xf32, #tpu.memory_space<vmem>>)
      %sub3A_630 = arith.constant 1 : i32
      %sub3A_631 = arith.subi %scan3A_578, %sub3A_630 : i32
      %mul3A_632 = arith.constant 5 : i32
      %mul3A_633 = arith.muli %sub3A_631, %mul3A_632 : i32
      %add3A_634 = arith.constant 1 : i32
      %add3A_635 = arith.addi %mul3A_633, %add3A_634 : i32
      %mul3A_636 = arith.constant 128 : i32
      %mul3A_637 = arith.muli %add3A_635, %mul3A_636 : i32
      %add3A_638 = arith.addi %mul3A_2, %mul3A_637 : i32
      %dma_start3A_639 = arith.constant 1 : i32
      %dma_start3A_640 = arith.constant 0 : i32
      %dma_start3A_641 = arith.constant 0 : i32
      %dma_start3A_642 = tpu.memref_slice %arg9[%dma_start3A_639, %dma_start3A_640, %dma_start3A_641] : memref<5x128x128xf32, #tpu.memory_space<vmem>> -> memref<1x128x128xf32, #tpu.memory_space<vmem>>
      %dma_start3A_643 = tpu.memref_squeeze %dma_start3A_642 : memref<1x128x128xf32, #tpu.memory_space<vmem>> -> memref<128x128xf32, #tpu.memory_space<vmem>>
      %dma_start3A_644 = arith.constant 0 : i32
      %dma_start3A_645 = tpu.memref_slice %arg6[%add3A_638, %dma_start3A_644] : memref<409600x128xf32, #tpu.memory_space<hbm>> -> memref<128x128xf32, #tpu.memory_space<hbm>>
      %dma_start3A_646 = arith.constant 0 : i32
      %dma_start3A_647 = tpu.memref_slice %arg6[%add3A_638, %dma_start3A_646] : memref<409600x128xf32, #tpu.memory_space<hbm>> -> memref<128x128xf32, #tpu.memory_space<hbm>>
      %dma_start3A_648 = arith.constant 0 : i32
      %dma_start3A_649 = arith.constant 0 : i32
      %dma_start3A_650 = tpu.memref_slice %arg9[%dma_start3A_639, %dma_start3A_648, %dma_start3A_649] : memref<5x128x128xf32, #tpu.memory_space<vmem>> -> memref<1x128x128xf32, #tpu.memory_space<vmem>>
      %dma_start3A_651 = tpu.memref_squeeze %dma_start3A_650 : memref<1x128x128xf32, #tpu.memory_space<vmem>> -> memref<128x128xf32, #tpu.memory_space<vmem>>
      tpu.enqueue_dma source(%dma_start3A_651 : memref<128x128xf32, #tpu.memory_space<vmem>>) target(%dma_start3A_647 : memref<128x128xf32, #tpu.memory_space<hbm>>) target_semaphore(%arg16 : memref<!tpu.dma_semaphore, #tpu.memory_space<semaphore_mem>>)
      %dma_wait3A_652 = arith.constant 2 : i32
      %dma_wait3A_653 = arith.constant 0 : i32
      %dma_wait3A_654 = arith.constant 0 : i32
      %dma_wait3A_655 = tpu.memref_slice %arg9[%dma_wait3A_652, %dma_wait3A_653, %dma_wait3A_654] : memref<5x128x128xf32, #tpu.memory_space<vmem>> -> memref<1x128x128xf32, #tpu.memory_space<vmem>>
      %dma_wait3A_656 = tpu.memref_squeeze %dma_wait3A_655 : memref<1x128x128xf32, #tpu.memory_space<vmem>> -> memref<128x128xf32, #tpu.memory_space<vmem>>
      %dma_wait3A_657 = arith.constant 0 : i32
      %dma_wait3A_658 = arith.constant 0 : i32
      %dma_wait3A_659 = tpu.memref_slice %arg4[%dma_wait3A_657, %dma_wait3A_658] : memref<100000x128xf32, #tpu.memory_space<hbm>> -> memref<128x128xf32, #tpu.memory_space<hbm>>
      %dma_wait3A_660 = arith.constant 0 : i32
      %dma_wait3A_661 = arith.constant 0 : i32
      %dma_wait3A_662 = tpu.memref_slice %arg9[%dma_wait3A_652, %dma_wait3A_660, %dma_wait3A_661] : memref<5x128x128xf32, #tpu.memory_space<vmem>> -> memref<1x128x128xf32, #tpu.memory_space<vmem>>
      %dma_wait3A_663 = tpu.memref_squeeze %dma_wait3A_662 : memref<1x128x128xf32, #tpu.memory_space<vmem>> -> memref<128x128xf32, #tpu.memory_space<vmem>>
      %dma_wait3A_664 = arith.constant 0 : i32
      %dma_wait3A_665 = arith.constant 0 : i32
      %dma_wait3A_666 = tpu.memref_slice %arg4[%dma_wait3A_664, %dma_wait3A_665] : memref<100000x128xf32, #tpu.memory_space<hbm>> -> memref<128x128xf32, #tpu.memory_space<hbm>>
      tpu.wait_dma2 semaphore(%arg12 : memref<!tpu.dma_semaphore, #tpu.memory_space<semaphore_mem>>) src(%dma_wait3A_666 : memref<128x128xf32, #tpu.memory_space<hbm>>) dst(%dma_wait3A_663 : memref<128x128xf32, #tpu.memory_space<vmem>>)
      %sub3A_667 = arith.constant 1 : i32
      %sub3A_668 = arith.subi %scan3A_578, %sub3A_667 : i32
      %mul3A_669 = arith.constant 5 : i32
      %mul3A_670 = arith.muli %sub3A_668, %mul3A_669 : i32
      %add3A_671 = arith.constant 2 : i32
      %add3A_672 = arith.addi %mul3A_670, %add3A_671 : i32
      %mul3A_673 = arith.constant 128 : i32
      %mul3A_674 = arith.muli %add3A_672, %mul3A_673 : i32
      %add3A_675 = arith.addi %mul3A_2, %mul3A_674 : i32
      %dma_start3A_676 = arith.constant 2 : i32
      %dma_start3A_677 = arith.constant 0 : i32
      %dma_start3A_678 = arith.constant 0 : i32
      %dma_start3A_679 = tpu.memref_slice %arg9[%dma_start3A_676, %dma_start3A_677, %dma_start3A_678] : memref<5x128x128xf32, #tpu.memory_space<vmem>> -> memref<1x128x128xf32, #tpu.memory_space<vmem>>
      %dma_start3A_680 = tpu.memref_squeeze %dma_start3A_679 : memref<1x128x128xf32, #tpu.memory_space<vmem>> -> memref<128x128xf32, #tpu.memory_space<vmem>>
      %dma_start3A_681 = arith.constant 0 : i32
      %dma_start3A_682 = tpu.memref_slice %arg6[%add3A_675, %dma_start3A_681] : memref<409600x128xf32, #tpu.memory_space<hbm>> -> memref<128x128xf32, #tpu.memory_space<hbm>>
      %dma_start3A_683 = arith.constant 0 : i32
      %dma_start3A_684 = tpu.memref_slice %arg6[%add3A_675, %dma_start3A_683] : memref<409600x128xf32, #tpu.memory_space<hbm>> -> memref<128x128xf32, #tpu.memory_space<hbm>>
      %dma_start3A_685 = arith.constant 0 : i32
      %dma_start3A_686 = arith.constant 0 : i32
      %dma_start3A_687 = tpu.memref_slice %arg9[%dma_start3A_676, %dma_start3A_685, %dma_start3A_686] : memref<5x128x128xf32, #tpu.memory_space<vmem>> -> memref<1x128x128xf32, #tpu.memory_space<vmem>>
      %dma_start3A_688 = tpu.memref_squeeze %dma_start3A_687 : memref<1x128x128xf32, #tpu.memory_space<vmem>> -> memref<128x128xf32, #tpu.memory_space<vmem>>
      tpu.enqueue_dma source(%dma_start3A_688 : memref<128x128xf32, #tpu.memory_space<vmem>>) target(%dma_start3A_684 : memref<128x128xf32, #tpu.memory_space<hbm>>) target_semaphore(%arg17 : memref<!tpu.dma_semaphore, #tpu.memory_space<semaphore_mem>>)
      %dma_wait3A_689 = arith.constant 0 : i32
      %dma_wait3A_690 = arith.constant 0 : i32
      %dma_wait3A_691 = arith.constant 0 : i32
      %dma_wait3A_692 = tpu.memref_slice %arg9[%dma_wait3A_689, %dma_wait3A_690, %dma_wait3A_691] : memref<5x128x128xf32, #tpu.memory_space<vmem>> -> memref<1x128x128xf32, #tpu.memory_space<vmem>>
      %dma_wait3A_693 = tpu.memref_squeeze %dma_wait3A_692 : memref<1x128x128xf32, #tpu.memory_space<vmem>> -> memref<128x128xf32, #tpu.memory_space<vmem>>
      %dma_wait3A_694 = arith.constant 0 : i32
      %dma_wait3A_695 = tpu.memref_slice %arg5[%mul3A_2, %dma_wait3A_694] : memref<409600x128xf32, #tpu.memory_space<hbm>> -> memref<128x128xf32, #tpu.memory_space<hbm>>
      %dma_wait3A_696 = arith.constant 0 : i32
      %dma_wait3A_697 = tpu.memref_slice %arg5[%mul3A_2, %dma_wait3A_696] : memref<409600x128xf32, #tpu.memory_space<hbm>> -> memref<128x128xf32, #tpu.memory_space<hbm>>
      %dma_wait3A_698 = arith.constant 0 : i32
      %dma_wait3A_699 = arith.constant 0 : i32
      %dma_wait3A_700 = tpu.memref_slice %arg9[%dma_wait3A_689, %dma_wait3A_698, %dma_wait3A_699] : memref<5x128x128xf32, #tpu.memory_space<vmem>> -> memref<1x128x128xf32, #tpu.memory_space<vmem>>
      %dma_wait3A_701 = tpu.memref_squeeze %dma_wait3A_700 : memref<1x128x128xf32, #tpu.memory_space<vmem>> -> memref<128x128xf32, #tpu.memory_space<vmem>>
      tpu.wait_dma2 semaphore(%arg15 : memref<!tpu.dma_semaphore, #tpu.memory_space<semaphore_mem>>) src(%dma_wait3A_701 : memref<128x128xf32, #tpu.memory_space<vmem>>) dst(%dma_wait3A_697 : memref<128x128xf32, #tpu.memory_space<hbm>>)
      %mul3A_702 = arith.constant 5 : i32
      %mul3A_703 = arith.muli %scan3A_578, %mul3A_702 : i32
      %add3A_704 = arith.constant 0 : i32
      %add3A_705 = arith.addi %mul3A_703, %add3A_704 : i32
      %dma_start3A_706 = arith.constant 0 : i32
      %dma_start3A_707 = arith.constant 0 : i32
      %dma_start3A_708 = arith.constant 0 : i32
      %dma_start3A_709 = tpu.memref_slice %arg9[%dma_start3A_706, %dma_start3A_707, %dma_start3A_708] : memref<5x128x128xf32, #tpu.memory_space<vmem>> -> memref<1x128x128xf32, #tpu.memory_space<vmem>>
      %dma_start3A_710 = tpu.memref_squeeze %dma_start3A_709 : memref<1x128x128xf32, #tpu.memory_space<vmem>> -> memref<128x128xf32, #tpu.memory_space<vmem>>
      %dma_start3A_711 = arith.constant 0 : i32
      %dma_start3A_712 = tpu.memref_slice %arg8[%add3A_705, %dma_start3A_711] : memref<100x128xi32, #tpu.memory_space<vmem>> -> memref<1x128xi32, #tpu.memory_space<vmem>>
      %dma_start3A_713 = tpu.memref_squeeze %dma_start3A_712 : memref<1x128xi32, #tpu.memory_space<vmem>> -> memref<128xi32, #tpu.memory_space<vmem>>
      %dma_start3A_714 = arith.constant 0 : i32
      %dma_start3A_715 = arith.constant 0 : i32
      %dma_start3A_716 = tpu.memref_slice %arg4[%dma_start3A_714, %dma_start3A_715] : memref<100000x128xf32, #tpu.memory_space<hbm>> -> memref<100000x128xf32, #tpu.memory_space<hbm>>
      tpu.enqueue_indirect_dma source(%dma_start3A_716 : memref<100000x128xf32, #tpu.memory_space<hbm>>) target(%dma_start3A_710 : memref<128x128xf32, #tpu.memory_space<vmem>>) offsets(%dma_start3A_713 : memref<128xi32, #tpu.memory_space<vmem>>) semaphore(%arg10 : memref<!tpu.dma_semaphore, #tpu.memory_space<semaphore_mem>>)
      %dma_wait3A_717 = arith.constant 3 : i32
      %dma_wait3A_718 = arith.constant 0 : i32
      %dma_wait3A_719 = arith.constant 0 : i32
      %dma_wait3A_720 = tpu.memref_slice %arg9[%dma_wait3A_717, %dma_wait3A_718, %dma_wait3A_719] : memref<5x128x128xf32, #tpu.memory_space<vmem>> -> memref<1x128x128xf32, #tpu.memory_space<vmem>>
      %dma_wait3A_721 = tpu.memref_squeeze %dma_wait3A_720 : memref<1x128x128xf32, #tpu.memory_space<vmem>> -> memref<128x128xf32, #tpu.memory_space<vmem>>
      %dma_wait3A_722 = arith.constant 0 : i32
      %dma_wait3A_723 = arith.constant 0 : i32
      %dma_wait3A_724 = tpu.memref_slice %arg4[%dma_wait3A_722, %dma_wait3A_723] : memref<100000x128xf32, #tpu.memory_space<hbm>> -> memref<128x128xf32, #tpu.memory_space<hbm>>
      %dma_wait3A_725 = arith.constant 0 : i32
      %dma_wait3A_726 = arith.constant 0 : i32
      %dma_wait3A_727 = tpu.memref_slice %arg9[%dma_wait3A_717, %dma_wait3A_725, %dma_wait3A_726] : memref<5x128x128xf32, #tpu.memory_space<vmem>> -> memref<1x128x128xf32, #tpu.memory_space<vmem>>
      %dma_wait3A_728 = tpu.memref_squeeze %dma_wait3A_727 : memref<1x128x128xf32, #tpu.memory_space<vmem>> -> memref<128x128xf32, #tpu.memory_space<vmem>>
      %dma_wait3A_729 = arith.constant 0 : i32
      %dma_wait3A_730 = arith.constant 0 : i32
      %dma_wait3A_731 = tpu.memref_slice %arg4[%dma_wait3A_729, %dma_wait3A_730] : memref<100000x128xf32, #tpu.memory_space<hbm>> -> memref<128x128xf32, #tpu.memory_space<hbm>>
      tpu.wait_dma2 semaphore(%arg13 : memref<!tpu.dma_semaphore, #tpu.memory_space<semaphore_mem>>) src(%dma_wait3A_731 : memref<128x128xf32, #tpu.memory_space<hbm>>) dst(%dma_wait3A_728 : memref<128x128xf32, #tpu.memory_space<vmem>>)
      %sub3A_732 = arith.constant 1 : i32
      %sub3A_733 = arith.subi %scan3A_578, %sub3A_732 : i32
      %mul3A_734 = arith.constant 5 : i32
      %mul3A_735 = arith.muli %sub3A_733, %mul3A_734 : i32
      %add3A_736 = arith.constant 3 : i32
      %add3A_737 = arith.addi %mul3A_735, %add3A_736 : i32
      %mul3A_738 = arith.constant 128 : i32
      %mul3A_739 = arith.muli %add3A_737, %mul3A_738 : i32
      %add3A_740 = arith.addi %mul3A_2, %mul3A_739 : i32
      %dma_start3A_741 = arith.constant 3 : i32
      %dma_start3A_742 = arith.constant 0 : i32
      %dma_start3A_743 = arith.constant 0 : i32
      %dma_start3A_744 = tpu.memref_slice %arg9[%dma_start3A_741, %dma_start3A_742, %dma_start3A_743] : memref<5x128x128xf32, #tpu.memory_space<vmem>> -> memref<1x128x128xf32, #tpu.memory_space<vmem>>
      %dma_start3A_745 = tpu.memref_squeeze %dma_start3A_744 : memref<1x128x128xf32, #tpu.memory_space<vmem>> -> memref<128x128xf32, #tpu.memory_space<vmem>>
      %dma_start3A_746 = arith.constant 0 : i32
      %dma_start3A_747 = tpu.memref_slice %arg6[%add3A_740, %dma_start3A_746] : memref<409600x128xf32, #tpu.memory_space<hbm>> -> memref<128x128xf32, #tpu.memory_space<hbm>>
      %dma_start3A_748 = arith.constant 0 : i32
      %dma_start3A_749 = tpu.memref_slice %arg6[%add3A_740, %dma_start3A_748] : memref<409600x128xf32, #tpu.memory_space<hbm>> -> memref<128x128xf32, #tpu.memory_space<hbm>>
      %dma_start3A_750 = arith.constant 0 : i32
      %dma_start3A_751 = arith.constant 0 : i32
      %dma_start3A_752 = tpu.memref_slice %arg9[%dma_start3A_741, %dma_start3A_750, %dma_start3A_751] : memref<5x128x128xf32, #tpu.memory_space<vmem>> -> memref<1x128x128xf32, #tpu.memory_space<vmem>>
      %dma_start3A_753 = tpu.memref_squeeze %dma_start3A_752 : memref<1x128x128xf32, #tpu.memory_space<vmem>> -> memref<128x128xf32, #tpu.memory_space<vmem>>
      tpu.enqueue_dma source(%dma_start3A_753 : memref<128x128xf32, #tpu.memory_space<vmem>>) target(%dma_start3A_749 : memref<128x128xf32, #tpu.memory_space<hbm>>) target_semaphore(%arg18 : memref<!tpu.dma_semaphore, #tpu.memory_space<semaphore_mem>>)
      %dma_wait3A_754 = arith.constant 1 : i32
      %dma_wait3A_755 = arith.constant 0 : i32
      %dma_wait3A_756 = arith.constant 0 : i32
      %dma_wait3A_757 = tpu.memref_slice %arg9[%dma_wait3A_754, %dma_wait3A_755, %dma_wait3A_756] : memref<5x128x128xf32, #tpu.memory_space<vmem>> -> memref<1x128x128xf32, #tpu.memory_space<vmem>>
      %dma_wait3A_758 = tpu.memref_squeeze %dma_wait3A_757 : memref<1x128x128xf32, #tpu.memory_space<vmem>> -> memref<128x128xf32, #tpu.memory_space<vmem>>
      %dma_wait3A_759 = arith.constant 0 : i32
      %dma_wait3A_760 = tpu.memref_slice %arg5[%mul3A_2, %dma_wait3A_759] : memref<409600x128xf32, #tpu.memory_space<hbm>> -> memref<128x128xf32, #tpu.memory_space<hbm>>
      %dma_wait3A_761 = arith.constant 0 : i32
      %dma_wait3A_762 = tpu.memref_slice %arg5[%mul3A_2, %dma_wait3A_761] : memref<409600x128xf32, #tpu.memory_space<hbm>> -> memref<128x128xf32, #tpu.memory_space<hbm>>
      %dma_wait3A_763 = arith.constant 0 : i32
      %dma_wait3A_764 = arith.constant 0 : i32
      %dma_wait3A_765 = tpu.memref_slice %arg9[%dma_wait3A_754, %dma_wait3A_763, %dma_wait3A_764] : memref<5x128x128xf32, #tpu.memory_space<vmem>> -> memref<1x128x128xf32, #tpu.memory_space<vmem>>
      %dma_wait3A_766 = tpu.memref_squeeze %dma_wait3A_765 : memref<1x128x128xf32, #tpu.memory_space<vmem>> -> memref<128x128xf32, #tpu.memory_space<vmem>>
      tpu.wait_dma2 semaphore(%arg16 : memref<!tpu.dma_semaphore, #tpu.memory_space<semaphore_mem>>) src(%dma_wait3A_766 : memref<128x128xf32, #tpu.memory_space<vmem>>) dst(%dma_wait3A_762 : memref<128x128xf32, #tpu.memory_space<hbm>>)
      %mul3A_767 = arith.constant 5 : i32
      %mul3A_768 = arith.muli %scan3A_578, %mul3A_767 : i32
      %add3A_769 = arith.constant 1 : i32
      %add3A_770 = arith.addi %mul3A_768, %add3A_769 : i32
      %dma_start3A_771 = arith.constant 1 : i32
      %dma_start3A_772 = arith.constant 0 : i32
      %dma_start3A_773 = arith.constant 0 : i32
      %dma_start3A_774 = tpu.memref_slice %arg9[%dma_start3A_771, %dma_start3A_772, %dma_start3A_773] : memref<5x128x128xf32, #tpu.memory_space<vmem>> -> memref<1x128x128xf32, #tpu.memory_space<vmem>>
      %dma_start3A_775 = tpu.memref_squeeze %dma_start3A_774 : memref<1x128x128xf32, #tpu.memory_space<vmem>> -> memref<128x128xf32, #tpu.memory_space<vmem>>
      %dma_start3A_776 = arith.constant 0 : i32
      %dma_start3A_777 = tpu.memref_slice %arg8[%add3A_770, %dma_start3A_776] : memref<100x128xi32, #tpu.memory_space<vmem>> -> memref<1x128xi32, #tpu.memory_space<vmem>>
      %dma_start3A_778 = tpu.memref_squeeze %dma_start3A_777 : memref<1x128xi32, #tpu.memory_space<vmem>> -> memref<128xi32, #tpu.memory_space<vmem>>
      %dma_start3A_779 = arith.constant 0 : i32
      %dma_start3A_780 = arith.constant 0 : i32
      %dma_start3A_781 = tpu.memref_slice %arg4[%dma_start3A_779, %dma_start3A_780] : memref<100000x128xf32, #tpu.memory_space<hbm>> -> memref<100000x128xf32, #tpu.memory_space<hbm>>
      tpu.enqueue_indirect_dma source(%dma_start3A_781 : memref<100000x128xf32, #tpu.memory_space<hbm>>) target(%dma_start3A_775 : memref<128x128xf32, #tpu.memory_space<vmem>>) offsets(%dma_start3A_778 : memref<128xi32, #tpu.memory_space<vmem>>) semaphore(%arg11 : memref<!tpu.dma_semaphore, #tpu.memory_space<semaphore_mem>>)
      %dma_wait3A_782 = arith.constant 4 : i32
      %dma_wait3A_783 = arith.constant 0 : i32
      %dma_wait3A_784 = arith.constant 0 : i32
      %dma_wait3A_785 = tpu.memref_slice %arg9[%dma_wait3A_782, %dma_wait3A_783, %dma_wait3A_784] : memref<5x128x128xf32, #tpu.memory_space<vmem>> -> memref<1x128x128xf32, #tpu.memory_space<vmem>>
      %dma_wait3A_786 = tpu.memref_squeeze %dma_wait3A_785 : memref<1x128x128xf32, #tpu.memory_space<vmem>> -> memref<128x128xf32, #tpu.memory_space<vmem>>
      %dma_wait3A_787 = arith.constant 0 : i32
      %dma_wait3A_788 = arith.constant 0 : i32
      %dma_wait3A_789 = tpu.memref_slice %arg4[%dma_wait3A_787, %dma_wait3A_788] : memref<100000x128xf32, #tpu.memory_space<hbm>> -> memref<128x128xf32, #tpu.memory_space<hbm>>
      %dma_wait3A_790 = arith.constant 0 : i32
      %dma_wait3A_791 = arith.constant 0 : i32
      %dma_wait3A_792 = tpu.memref_slice %arg9[%dma_wait3A_782, %dma_wait3A_790, %dma_wait3A_791] : memref<5x128x128xf32, #tpu.memory_space<vmem>> -> memref<1x128x128xf32, #tpu.memory_space<vmem>>
      %dma_wait3A_793 = tpu.memref_squeeze %dma_wait3A_792 : memref<1x128x128xf32, #tpu.memory_space<vmem>> -> memref<128x128xf32, #tpu.memory_space<vmem>>
      %dma_wait3A_794 = arith.constant 0 : i32
      %dma_wait3A_795 = arith.constant 0 : i32
      %dma_wait3A_796 = tpu.memref_slice %arg4[%dma_wait3A_794, %dma_wait3A_795] : memref<100000x128xf32, #tpu.memory_space<hbm>> -> memref<128x128xf32, #tpu.memory_space<hbm>>
      tpu.wait_dma2 semaphore(%arg14 : memref<!tpu.dma_semaphore, #tpu.memory_space<semaphore_mem>>) src(%dma_wait3A_796 : memref<128x128xf32, #tpu.memory_space<hbm>>) dst(%dma_wait3A_793 : memref<128x128xf32, #tpu.memory_space<vmem>>)
      %sub3A_797 = arith.constant 1 : i32
      %sub3A_798 = arith.subi %scan3A_578, %sub3A_797 : i32
      %mul3A_799 = arith.constant 5 : i32
      %mul3A_800 = arith.muli %sub3A_798, %mul3A_799 : i32
      %add3A_801 = arith.constant 4 : i32
      %add3A_802 = arith.addi %mul3A_800, %add3A_801 : i32
      %mul3A_803 = arith.constant 128 : i32
      %mul3A_804 = arith.muli %add3A_802, %mul3A_803 : i32
      %add3A_805 = arith.addi %mul3A_2, %mul3A_804 : i32
      %dma_start3A_806 = arith.constant 4 : i32
      %dma_start3A_807 = arith.constant 0 : i32
      %dma_start3A_808 = arith.constant 0 : i32
      %dma_start3A_809 = tpu.memref_slice %arg9[%dma_start3A_806, %dma_start3A_807, %dma_start3A_808] : memref<5x128x128xf32, #tpu.memory_space<vmem>> -> memref<1x128x128xf32, #tpu.memory_space<vmem>>
      %dma_start3A_810 = tpu.memref_squeeze %dma_start3A_809 : memref<1x128x128xf32, #tpu.memory_space<vmem>> -> memref<128x128xf32, #tpu.memory_space<vmem>>
      %dma_start3A_811 = arith.constant 0 : i32
      %dma_start3A_812 = tpu.memref_slice %arg6[%add3A_805, %dma_start3A_811] : memref<409600x128xf32, #tpu.memory_space<hbm>> -> memref<128x128xf32, #tpu.memory_space<hbm>>
      %dma_start3A_813 = arith.constant 0 : i32
      %dma_start3A_814 = tpu.memref_slice %arg6[%add3A_805, %dma_start3A_813] : memref<409600x128xf32, #tpu.memory_space<hbm>> -> memref<128x128xf32, #tpu.memory_space<hbm>>
      %dma_start3A_815 = arith.constant 0 : i32
      %dma_start3A_816 = arith.constant 0 : i32
      %dma_start3A_817 = tpu.memref_slice %arg9[%dma_start3A_806, %dma_start3A_815, %dma_start3A_816] : memref<5x128x128xf32, #tpu.memory_space<vmem>> -> memref<1x128x128xf32, #tpu.memory_space<vmem>>
      %dma_start3A_818 = tpu.memref_squeeze %dma_start3A_817 : memref<1x128x128xf32, #tpu.memory_space<vmem>> -> memref<128x128xf32, #tpu.memory_space<vmem>>
      tpu.enqueue_dma source(%dma_start3A_818 : memref<128x128xf32, #tpu.memory_space<vmem>>) target(%dma_start3A_814 : memref<128x128xf32, #tpu.memory_space<hbm>>) target_semaphore(%arg19 : memref<!tpu.dma_semaphore, #tpu.memory_space<semaphore_mem>>)
      %dma_wait3A_819 = arith.constant 2 : i32
      %dma_wait3A_820 = arith.constant 0 : i32
      %dma_wait3A_821 = arith.constant 0 : i32
      %dma_wait3A_822 = tpu.memref_slice %arg9[%dma_wait3A_819, %dma_wait3A_820, %dma_wait3A_821] : memref<5x128x128xf32, #tpu.memory_space<vmem>> -> memref<1x128x128xf32, #tpu.memory_space<vmem>>
      %dma_wait3A_823 = tpu.memref_squeeze %dma_wait3A_822 : memref<1x128x128xf32, #tpu.memory_space<vmem>> -> memref<128x128xf32, #tpu.memory_space<vmem>>
      %dma_wait3A_824 = arith.constant 0 : i32
      %dma_wait3A_825 = tpu.memref_slice %arg5[%mul3A_2, %dma_wait3A_824] : memref<409600x128xf32, #tpu.memory_space<hbm>> -> memref<128x128xf32, #tpu.memory_space<hbm>>
      %dma_wait3A_826 = arith.constant 0 : i32
      %dma_wait3A_827 = tpu.memref_slice %arg5[%mul3A_2, %dma_wait3A_826] : memref<409600x128xf32, #tpu.memory_space<hbm>> -> memref<128x128xf32, #tpu.memory_space<hbm>>
      %dma_wait3A_828 = arith.constant 0 : i32
      %dma_wait3A_829 = arith.constant 0 : i32
      %dma_wait3A_830 = tpu.memref_slice %arg9[%dma_wait3A_819, %dma_wait3A_828, %dma_wait3A_829] : memref<5x128x128xf32, #tpu.memory_space<vmem>> -> memref<1x128x128xf32, #tpu.memory_space<vmem>>
      %dma_wait3A_831 = tpu.memref_squeeze %dma_wait3A_830 : memref<1x128x128xf32, #tpu.memory_space<vmem>> -> memref<128x128xf32, #tpu.memory_space<vmem>>
      tpu.wait_dma2 semaphore(%arg17 : memref<!tpu.dma_semaphore, #tpu.memory_space<semaphore_mem>>) src(%dma_wait3A_831 : memref<128x128xf32, #tpu.memory_space<vmem>>) dst(%dma_wait3A_827 : memref<128x128xf32, #tpu.memory_space<hbm>>)
      %mul3A_832 = arith.constant 5 : i32
      %mul3A_833 = arith.muli %scan3A_578, %mul3A_832 : i32
      %add3A_834 = arith.constant 2 : i32
      %add3A_835 = arith.addi %mul3A_833, %add3A_834 : i32
      %dma_start3A_836 = arith.constant 2 : i32
      %dma_start3A_837 = arith.constant 0 : i32
      %dma_start3A_838 = arith.constant 0 : i32
      %dma_start3A_839 = tpu.memref_slice %arg9[%dma_start3A_836, %dma_start3A_837, %dma_start3A_838] : memref<5x128x128xf32, #tpu.memory_space<vmem>> -> memref<1x128x128xf32, #tpu.memory_space<vmem>>
      %dma_start3A_840 = tpu.memref_squeeze %dma_start3A_839 : memref<1x128x128xf32, #tpu.memory_space<vmem>> -> memref<128x128xf32, #tpu.memory_space<vmem>>
      %dma_start3A_841 = arith.constant 0 : i32
      %dma_start3A_842 = tpu.memref_slice %arg8[%add3A_835, %dma_start3A_841] : memref<100x128xi32, #tpu.memory_space<vmem>> -> memref<1x128xi32, #tpu.memory_space<vmem>>
      %dma_start3A_843 = tpu.memref_squeeze %dma_start3A_842 : memref<1x128xi32, #tpu.memory_space<vmem>> -> memref<128xi32, #tpu.memory_space<vmem>>
      %dma_start3A_844 = arith.constant 0 : i32
      %dma_start3A_845 = arith.constant 0 : i32
      %dma_start3A_846 = tpu.memref_slice %arg4[%dma_start3A_844, %dma_start3A_845] : memref<100000x128xf32, #tpu.memory_space<hbm>> -> memref<100000x128xf32, #tpu.memory_space<hbm>>
      tpu.enqueue_indirect_dma source(%dma_start3A_846 : memref<100000x128xf32, #tpu.memory_space<hbm>>) target(%dma_start3A_840 : memref<128x128xf32, #tpu.memory_space<vmem>>) offsets(%dma_start3A_843 : memref<128xi32, #tpu.memory_space<vmem>>) semaphore(%arg12 : memref<!tpu.dma_semaphore, #tpu.memory_space<semaphore_mem>>)
      %dma_wait3A_847 = arith.constant 3 : i32
      %dma_wait3A_848 = arith.constant 0 : i32
      %dma_wait3A_849 = arith.constant 0 : i32
      %dma_wait3A_850 = tpu.memref_slice %arg9[%dma_wait3A_847, %dma_wait3A_848, %dma_wait3A_849] : memref<5x128x128xf32, #tpu.memory_space<vmem>> -> memref<1x128x128xf32, #tpu.memory_space<vmem>>
      %dma_wait3A_851 = tpu.memref_squeeze %dma_wait3A_850 : memref<1x128x128xf32, #tpu.memory_space<vmem>> -> memref<128x128xf32, #tpu.memory_space<vmem>>
      %dma_wait3A_852 = arith.constant 0 : i32
      %dma_wait3A_853 = tpu.memref_slice %arg5[%mul3A_2, %dma_wait3A_852] : memref<409600x128xf32, #tpu.memory_space<hbm>> -> memref<128x128xf32, #tpu.memory_space<hbm>>
      %dma_wait3A_854 = arith.constant 0 : i32
      %dma_wait3A_855 = tpu.memref_slice %arg5[%mul3A_2, %dma_wait3A_854] : memref<409600x128xf32, #tpu.memory_space<hbm>> -> memref<128x128xf32, #tpu.memory_space<hbm>>
      %dma_wait3A_856 = arith.constant 0 : i32
      %dma_wait3A_857 = arith.constant 0 : i32
      %dma_wait3A_858 = tpu.memref_slice %arg9[%dma_wait3A_847, %dma_wait3A_856, %dma_wait3A_857] : memref<5x128x128xf32, #tpu.memory_space<vmem>> -> memref<1x128x128xf32, #tpu.memory_space<vmem>>
      %dma_wait3A_859 = tpu.memref_squeeze %dma_wait3A_858 : memref<1x128x128xf32, #tpu.memory_space<vmem>> -> memref<128x128xf32, #tpu.memory_space<vmem>>
      tpu.wait_dma2 semaphore(%arg18 : memref<!tpu.dma_semaphore, #tpu.memory_space<semaphore_mem>>) src(%dma_wait3A_859 : memref<128x128xf32, #tpu.memory_space<vmem>>) dst(%dma_wait3A_855 : memref<128x128xf32, #tpu.memory_space<hbm>>)
      %mul3A_860 = arith.constant 5 : i32
      %mul3A_861 = arith.muli %scan3A_578, %mul3A_860 : i32
      %add3A_862 = arith.constant 3 : i32
      %add3A_863 = arith.addi %mul3A_861, %add3A_862 : i32
      %dma_start3A_864 = arith.constant 3 : i32
      %dma_start3A_865 = arith.constant 0 : i32
      %dma_start3A_866 = arith.constant 0 : i32
      %dma_start3A_867 = tpu.memref_slice %arg9[%dma_start3A_864, %dma_start3A_865, %dma_start3A_866] : memref<5x128x128xf32, #tpu.memory_space<vmem>> -> memref<1x128x128xf32, #tpu.memory_space<vmem>>
      %dma_start3A_868 = tpu.memref_squeeze %dma_start3A_867 : memref<1x128x128xf32, #tpu.memory_space<vmem>> -> memref<128x128xf32, #tpu.memory_space<vmem>>
      %dma_start3A_869 = arith.constant 0 : i32
      %dma_start3A_870 = tpu.memref_slice %arg8[%add3A_863, %dma_start3A_869] : memref<100x128xi32, #tpu.memory_space<vmem>> -> memref<1x128xi32, #tpu.memory_space<vmem>>
      %dma_start3A_871 = tpu.memref_squeeze %dma_start3A_870 : memref<1x128xi32, #tpu.memory_space<vmem>> -> memref<128xi32, #tpu.memory_space<vmem>>
      %dma_start3A_872 = arith.constant 0 : i32
      %dma_start3A_873 = arith.constant 0 : i32
      %dma_start3A_874 = tpu.memref_slice %arg4[%dma_start3A_872, %dma_start3A_873] : memref<100000x128xf32, #tpu.memory_space<hbm>> -> memref<100000x128xf32, #tpu.memory_space<hbm>>
      tpu.enqueue_indirect_dma source(%dma_start3A_874 : memref<100000x128xf32, #tpu.memory_space<hbm>>) target(%dma_start3A_868 : memref<128x128xf32, #tpu.memory_space<vmem>>) offsets(%dma_start3A_871 : memref<128xi32, #tpu.memory_space<vmem>>) semaphore(%arg13 : memref<!tpu.dma_semaphore, #tpu.memory_space<semaphore_mem>>)
      %dma_wait3A_875 = arith.constant 4 : i32
      %dma_wait3A_876 = arith.constant 0 : i32
      %dma_wait3A_877 = arith.constant 0 : i32
      %dma_wait3A_878 = tpu.memref_slice %arg9[%dma_wait3A_875, %dma_wait3A_876, %dma_wait3A_877] : memref<5x128x128xf32, #tpu.memory_space<vmem>> -> memref<1x128x128xf32, #tpu.memory_space<vmem>>
      %dma_wait3A_879 = tpu.memref_squeeze %dma_wait3A_878 : memref<1x128x128xf32, #tpu.memory_space<vmem>> -> memref<128x128xf32, #tpu.memory_space<vmem>>
      %dma_wait3A_880 = arith.constant 0 : i32
      %dma_wait3A_881 = tpu.memref_slice %arg5[%mul3A_2, %dma_wait3A_880] : memref<409600x128xf32, #tpu.memory_space<hbm>> -> memref<128x128xf32, #tpu.memory_space<hbm>>
      %dma_wait3A_882 = arith.constant 0 : i32
      %dma_wait3A_883 = tpu.memref_slice %arg5[%mul3A_2, %dma_wait3A_882] : memref<409600x128xf32, #tpu.memory_space<hbm>> -> memref<128x128xf32, #tpu.memory_space<hbm>>
      %dma_wait3A_884 = arith.constant 0 : i32
      %dma_wait3A_885 = arith.constant 0 : i32
      %dma_wait3A_886 = tpu.memref_slice %arg9[%dma_wait3A_875, %dma_wait3A_884, %dma_wait3A_885] : memref<5x128x128xf32, #tpu.memory_space<vmem>> -> memref<1x128x128xf32, #tpu.memory_space<vmem>>
      %dma_wait3A_887 = tpu.memref_squeeze %dma_wait3A_886 : memref<1x128x128xf32, #tpu.memory_space<vmem>> -> memref<128x128xf32, #tpu.memory_space<vmem>>
      tpu.wait_dma2 semaphore(%arg19 : memref<!tpu.dma_semaphore, #tpu.memory_space<semaphore_mem>>) src(%dma_wait3A_887 : memref<128x128xf32, #tpu.memory_space<vmem>>) dst(%dma_wait3A_883 : memref<128x128xf32, #tpu.memory_space<hbm>>)
      %mul3A_888 = arith.constant 5 : i32
      %mul3A_889 = arith.muli %scan3A_578, %mul3A_888 : i32
      %add3A_890 = arith.constant 4 : i32
      %add3A_891 = arith.addi %mul3A_889, %add3A_890 : i32
      %dma_start3A_892 = arith.constant 4 : i32
      %dma_start3A_893 = arith.constant 0 : i32
      %dma_start3A_894 = arith.constant 0 : i32
      %dma_start3A_895 = tpu.memref_slice %arg9[%dma_start3A_892, %dma_start3A_893, %dma_start3A_894] : memref<5x128x128xf32, #tpu.memory_space<vmem>> -> memref<1x128x128xf32, #tpu.memory_space<vmem>>
      %dma_start3A_896 = tpu.memref_squeeze %dma_start3A_895 : memref<1x128x128xf32, #tpu.memory_space<vmem>> -> memref<128x128xf32, #tpu.memory_space<vmem>>
      %dma_start3A_897 = arith.constant 0 : i32
      %dma_start3A_898 = tpu.memref_slice %arg8[%add3A_891, %dma_start3A_897] : memref<100x128xi32, #tpu.memory_space<vmem>> -> memref<1x128xi32, #tpu.memory_space<vmem>>
      %dma_start3A_899 = tpu.memref_squeeze %dma_start3A_898 : memref<1x128xi32, #tpu.memory_space<vmem>> -> memref<128xi32, #tpu.memory_space<vmem>>
      %dma_start3A_900 = arith.constant 0 : i32
      %dma_start3A_901 = arith.constant 0 : i32
      %dma_start3A_902 = tpu.memref_slice %arg4[%dma_start3A_900, %dma_start3A_901] : memref<100000x128xf32, #tpu.memory_space<hbm>> -> memref<100000x128xf32, #tpu.memory_space<hbm>>
      tpu.enqueue_indirect_dma source(%dma_start3A_902 : memref<100000x128xf32, #tpu.memory_space<hbm>>) target(%dma_start3A_896 : memref<128x128xf32, #tpu.memory_space<vmem>>) offsets(%dma_start3A_899 : memref<128xi32, #tpu.memory_space<vmem>>) semaphore(%arg14 : memref<!tpu.dma_semaphore, #tpu.memory_space<semaphore_mem>>)
    }
    %scan3A_362 = arith.constant 19 : i32
    %dma_wait3A_363 = arith.constant 0 : i32
    %dma_wait3A_364 = arith.constant 0 : i32
    %dma_wait3A_365 = arith.constant 0 : i32
    %dma_wait3A_366 = tpu.memref_slice %arg9[%dma_wait3A_363, %dma_wait3A_364, %dma_wait3A_365] : memref<5x128x128xf32, #tpu.memory_space<vmem>> -> memref<1x128x128xf32, #tpu.memory_space<vmem>>
    %dma_wait3A_367 = tpu.memref_squeeze %dma_wait3A_366 : memref<1x128x128xf32, #tpu.memory_space<vmem>> -> memref<128x128xf32, #tpu.memory_space<vmem>>
    %dma_wait3A_368 = arith.constant 0 : i32
    %dma_wait3A_369 = arith.constant 0 : i32
    %dma_wait3A_370 = tpu.memref_slice %arg4[%dma_wait3A_368, %dma_wait3A_369] : memref<100000x128xf32, #tpu.memory_space<hbm>> -> memref<128x128xf32, #tpu.memory_space<hbm>>
    %dma_wait3A_371 = arith.constant 0 : i32
    %dma_wait3A_372 = arith.constant 0 : i32
    %dma_wait3A_373 = tpu.memref_slice %arg9[%dma_wait3A_363, %dma_wait3A_371, %dma_wait3A_372] : memref<5x128x128xf32, #tpu.memory_space<vmem>> -> memref<1x128x128xf32, #tpu.memory_space<vmem>>
    %dma_wait3A_374 = tpu.memref_squeeze %dma_wait3A_373 : memref<1x128x128xf32, #tpu.memory_space<vmem>> -> memref<128x128xf32, #tpu.memory_space<vmem>>
    %dma_wait3A_375 = arith.constant 0 : i32
    %dma_wait3A_376 = arith.constant 0 : i32
    %dma_wait3A_377 = tpu.memref_slice %arg4[%dma_wait3A_375, %dma_wait3A_376] : memref<100000x128xf32, #tpu.memory_space<hbm>> -> memref<128x128xf32, #tpu.memory_space<hbm>>
    tpu.wait_dma2 semaphore(%arg10 : memref<!tpu.dma_semaphore, #tpu.memory_space<semaphore_mem>>) src(%dma_wait3A_377 : memref<128x128xf32, #tpu.memory_space<hbm>>) dst(%dma_wait3A_374 : memref<128x128xf32, #tpu.memory_space<vmem>>)
    %add3A_378 = arith.constant 12160 : i32
    %add3A_379 = arith.addi %mul3A_2, %add3A_378 : i32
    %dma_start3A_380 = arith.constant 0 : i32
    %dma_start3A_381 = arith.constant 0 : i32
    %dma_start3A_382 = arith.constant 0 : i32
    %dma_start3A_383 = tpu.memref_slice %arg9[%dma_start3A_380, %dma_start3A_381, %dma_start3A_382] : memref<5x128x128xf32, #tpu.memory_space<vmem>> -> memref<1x128x128xf32, #tpu.memory_space<vmem>>
    %dma_start3A_384 = tpu.memref_squeeze %dma_start3A_383 : memref<1x128x128xf32, #tpu.memory_space<vmem>> -> memref<128x128xf32, #tpu.memory_space<vmem>>
    %dma_start3A_385 = arith.constant 0 : i32
    %dma_start3A_386 = tpu.memref_slice %arg6[%add3A_379, %dma_start3A_385] : memref<409600x128xf32, #tpu.memory_space<hbm>> -> memref<128x128xf32, #tpu.memory_space<hbm>>
    %dma_start3A_387 = arith.constant 0 : i32
    %dma_start3A_388 = tpu.memref_slice %arg6[%add3A_379, %dma_start3A_387] : memref<409600x128xf32, #tpu.memory_space<hbm>> -> memref<128x128xf32, #tpu.memory_space<hbm>>
    %dma_start3A_389 = arith.constant 0 : i32
    %dma_start3A_390 = arith.constant 0 : i32
    %dma_start3A_391 = tpu.memref_slice %arg9[%dma_start3A_380, %dma_start3A_389, %dma_start3A_390] : memref<5x128x128xf32, #tpu.memory_space<vmem>> -> memref<1x128x128xf32, #tpu.memory_space<vmem>>
    %dma_start3A_392 = tpu.memref_squeeze %dma_start3A_391 : memref<1x128x128xf32, #tpu.memory_space<vmem>> -> memref<128x128xf32, #tpu.memory_space<vmem>>
    tpu.enqueue_dma source(%dma_start3A_392 : memref<128x128xf32, #tpu.memory_space<vmem>>) target(%dma_start3A_388 : memref<128x128xf32, #tpu.memory_space<hbm>>) target_semaphore(%arg15 : memref<!tpu.dma_semaphore, #tpu.memory_space<semaphore_mem>>)
    %dma_wait3A_393 = arith.constant 1 : i32
    %dma_wait3A_394 = arith.constant 0 : i32
    %dma_wait3A_395 = arith.constant 0 : i32
    %dma_wait3A_396 = tpu.memref_slice %arg9[%dma_wait3A_393, %dma_wait3A_394, %dma_wait3A_395] : memref<5x128x128xf32, #tpu.memory_space<vmem>> -> memref<1x128x128xf32, #tpu.memory_space<vmem>>
    %dma_wait3A_397 = tpu.memref_squeeze %dma_wait3A_396 : memref<1x128x128xf32, #tpu.memory_space<vmem>> -> memref<128x128xf32, #tpu.memory_space<vmem>>
    %dma_wait3A_398 = arith.constant 0 : i32
    %dma_wait3A_399 = arith.constant 0 : i32
    %dma_wait3A_400 = tpu.memref_slice %arg4[%dma_wait3A_398, %dma_wait3A_399] : memref<100000x128xf32, #tpu.memory_space<hbm>> -> memref<128x128xf32, #tpu.memory_space<hbm>>
    %dma_wait3A_401 = arith.constant 0 : i32
    %dma_wait3A_402 = arith.constant 0 : i32
    %dma_wait3A_403 = tpu.memref_slice %arg9[%dma_wait3A_393, %dma_wait3A_401, %dma_wait3A_402] : memref<5x128x128xf32, #tpu.memory_space<vmem>> -> memref<1x128x128xf32, #tpu.memory_space<vmem>>
    %dma_wait3A_404 = tpu.memref_squeeze %dma_wait3A_403 : memref<1x128x128xf32, #tpu.memory_space<vmem>> -> memref<128x128xf32, #tpu.memory_space<vmem>>
    %dma_wait3A_405 = arith.constant 0 : i32
    %dma_wait3A_406 = arith.constant 0 : i32
    %dma_wait3A_407 = tpu.memref_slice %arg4[%dma_wait3A_405, %dma_wait3A_406] : memref<100000x128xf32, #tpu.memory_space<hbm>> -> memref<128x128xf32, #tpu.memory_space<hbm>>
    tpu.wait_dma2 semaphore(%arg11 : memref<!tpu.dma_semaphore, #tpu.memory_space<semaphore_mem>>) src(%dma_wait3A_407 : memref<128x128xf32, #tpu.memory_space<hbm>>) dst(%dma_wait3A_404 : memref<128x128xf32, #tpu.memory_space<vmem>>)
    %add3A_408 = arith.constant 12288 : i32
    %add3A_409 = arith.addi %mul3A_2, %add3A_408 : i32
    %dma_start3A_410 = arith.constant 1 : i32
    %dma_start3A_411 = arith.constant 0 : i32
    %dma_start3A_412 = arith.constant 0 : i32
    %dma_start3A_413 = tpu.memref_slice %arg9[%dma_start3A_410, %dma_start3A_411, %dma_start3A_412] : memref<5x128x128xf32, #tpu.memory_space<vmem>> -> memref<1x128x128xf32, #tpu.memory_space<vmem>>
    %dma_start3A_414 = tpu.memref_squeeze %dma_start3A_413 : memref<1x128x128xf32, #tpu.memory_space<vmem>> -> memref<128x128xf32, #tpu.memory_space<vmem>>
    %dma_start3A_415 = arith.constant 0 : i32
    %dma_start3A_416 = tpu.memref_slice %arg6[%add3A_409, %dma_start3A_415] : memref<409600x128xf32, #tpu.memory_space<hbm>> -> memref<128x128xf32, #tpu.memory_space<hbm>>
    %dma_start3A_417 = arith.constant 0 : i32
    %dma_start3A_418 = tpu.memref_slice %arg6[%add3A_409, %dma_start3A_417] : memref<409600x128xf32, #tpu.memory_space<hbm>> -> memref<128x128xf32, #tpu.memory_space<hbm>>
    %dma_start3A_419 = arith.constant 0 : i32
    %dma_start3A_420 = arith.constant 0 : i32
    %dma_start3A_421 = tpu.memref_slice %arg9[%dma_start3A_410, %dma_start3A_419, %dma_start3A_420] : memref<5x128x128xf32, #tpu.memory_space<vmem>> -> memref<1x128x128xf32, #tpu.memory_space<vmem>>
    %dma_start3A_422 = tpu.memref_squeeze %dma_start3A_421 : memref<1x128x128xf32, #tpu.memory_space<vmem>> -> memref<128x128xf32, #tpu.memory_space<vmem>>
    tpu.enqueue_dma source(%dma_start3A_422 : memref<128x128xf32, #tpu.memory_space<vmem>>) target(%dma_start3A_418 : memref<128x128xf32, #tpu.memory_space<hbm>>) target_semaphore(%arg16 : memref<!tpu.dma_semaphore, #tpu.memory_space<semaphore_mem>>)
    %dma_wait3A_423 = arith.constant 2 : i32
    %dma_wait3A_424 = arith.constant 0 : i32
    %dma_wait3A_425 = arith.constant 0 : i32
    %dma_wait3A_426 = tpu.memref_slice %arg9[%dma_wait3A_423, %dma_wait3A_424, %dma_wait3A_425] : memref<5x128x128xf32, #tpu.memory_space<vmem>> -> memref<1x128x128xf32, #tpu.memory_space<vmem>>
    %dma_wait3A_427 = tpu.memref_squeeze %dma_wait3A_426 : memref<1x128x128xf32, #tpu.memory_space<vmem>> -> memref<128x128xf32, #tpu.memory_space<vmem>>
    %dma_wait3A_428 = arith.constant 0 : i32
    %dma_wait3A_429 = arith.constant 0 : i32
    %dma_wait3A_430 = tpu.memref_slice %arg4[%dma_wait3A_428, %dma_wait3A_429] : memref<100000x128xf32, #tpu.memory_space<hbm>> -> memref<128x128xf32, #tpu.memory_space<hbm>>
    %dma_wait3A_431 = arith.constant 0 : i32
    %dma_wait3A_432 = arith.constant 0 : i32
    %dma_wait3A_433 = tpu.memref_slice %arg9[%dma_wait3A_423, %dma_wait3A_431, %dma_wait3A_432] : memref<5x128x128xf32, #tpu.memory_space<vmem>> -> memref<1x128x128xf32, #tpu.memory_space<vmem>>
    %dma_wait3A_434 = tpu.memref_squeeze %dma_wait3A_433 : memref<1x128x128xf32, #tpu.memory_space<vmem>> -> memref<128x128xf32, #tpu.memory_space<vmem>>
    %dma_wait3A_435 = arith.constant 0 : i32
    %dma_wait3A_436 = arith.constant 0 : i32
    %dma_wait3A_437 = tpu.memref_slice %arg4[%dma_wait3A_435, %dma_wait3A_436] : memref<100000x128xf32, #tpu.memory_space<hbm>> -> memref<128x128xf32, #tpu.memory_space<hbm>>
    tpu.wait_dma2 semaphore(%arg12 : memref<!tpu.dma_semaphore, #tpu.memory_space<semaphore_mem>>) src(%dma_wait3A_437 : memref<128x128xf32, #tpu.memory_space<hbm>>) dst(%dma_wait3A_434 : memref<128x128xf32, #tpu.memory_space<vmem>>)
    %add3A_438 = arith.constant 12416 : i32
    %add3A_439 = arith.addi %mul3A_2, %add3A_438 : i32
    %dma_start3A_440 = arith.constant 2 : i32
    %dma_start3A_441 = arith.constant 0 : i32
    %dma_start3A_442 = arith.constant 0 : i32
    %dma_start3A_443 = tpu.memref_slice %arg9[%dma_start3A_440, %dma_start3A_441, %dma_start3A_442] : memref<5x128x128xf32, #tpu.memory_space<vmem>> -> memref<1x128x128xf32, #tpu.memory_space<vmem>>
    %dma_start3A_444 = tpu.memref_squeeze %dma_start3A_443 : memref<1x128x128xf32, #tpu.memory_space<vmem>> -> memref<128x128xf32, #tpu.memory_space<vmem>>
    %dma_start3A_445 = arith.constant 0 : i32
    %dma_start3A_446 = tpu.memref_slice %arg6[%add3A_439, %dma_start3A_445] : memref<409600x128xf32, #tpu.memory_space<hbm>> -> memref<128x128xf32, #tpu.memory_space<hbm>>
    %dma_start3A_447 = arith.constant 0 : i32
    %dma_start3A_448 = tpu.memref_slice %arg6[%add3A_439, %dma_start3A_447] : memref<409600x128xf32, #tpu.memory_space<hbm>> -> memref<128x128xf32, #tpu.memory_space<hbm>>
    %dma_start3A_449 = arith.constant 0 : i32
    %dma_start3A_450 = arith.constant 0 : i32
    %dma_start3A_451 = tpu.memref_slice %arg9[%dma_start3A_440, %dma_start3A_449, %dma_start3A_450] : memref<5x128x128xf32, #tpu.memory_space<vmem>> -> memref<1x128x128xf32, #tpu.memory_space<vmem>>
    %dma_start3A_452 = tpu.memref_squeeze %dma_start3A_451 : memref<1x128x128xf32, #tpu.memory_space<vmem>> -> memref<128x128xf32, #tpu.memory_space<vmem>>
    tpu.enqueue_dma source(%dma_start3A_452 : memref<128x128xf32, #tpu.memory_space<vmem>>) target(%dma_start3A_448 : memref<128x128xf32, #tpu.memory_space<hbm>>) target_semaphore(%arg17 : memref<!tpu.dma_semaphore, #tpu.memory_space<semaphore_mem>>)
    %dma_wait3A_453 = arith.constant 3 : i32
    %dma_wait3A_454 = arith.constant 0 : i32
    %dma_wait3A_455 = arith.constant 0 : i32
    %dma_wait3A_456 = tpu.memref_slice %arg9[%dma_wait3A_453, %dma_wait3A_454, %dma_wait3A_455] : memref<5x128x128xf32, #tpu.memory_space<vmem>> -> memref<1x128x128xf32, #tpu.memory_space<vmem>>
    %dma_wait3A_457 = tpu.memref_squeeze %dma_wait3A_456 : memref<1x128x128xf32, #tpu.memory_space<vmem>> -> memref<128x128xf32, #tpu.memory_space<vmem>>
    %dma_wait3A_458 = arith.constant 0 : i32
    %dma_wait3A_459 = arith.constant 0 : i32
    %dma_wait3A_460 = tpu.memref_slice %arg4[%dma_wait3A_458, %dma_wait3A_459] : memref<100000x128xf32, #tpu.memory_space<hbm>> -> memref<128x128xf32, #tpu.memory_space<hbm>>
    %dma_wait3A_461 = arith.constant 0 : i32
    %dma_wait3A_462 = arith.constant 0 : i32
    %dma_wait3A_463 = tpu.memref_slice %arg9[%dma_wait3A_453, %dma_wait3A_461, %dma_wait3A_462] : memref<5x128x128xf32, #tpu.memory_space<vmem>> -> memref<1x128x128xf32, #tpu.memory_space<vmem>>
    %dma_wait3A_464 = tpu.memref_squeeze %dma_wait3A_463 : memref<1x128x128xf32, #tpu.memory_space<vmem>> -> memref<128x128xf32, #tpu.memory_space<vmem>>
    %dma_wait3A_465 = arith.constant 0 : i32
    %dma_wait3A_466 = arith.constant 0 : i32
    %dma_wait3A_467 = tpu.memref_slice %arg4[%dma_wait3A_465, %dma_wait3A_466] : memref<100000x128xf32, #tpu.memory_space<hbm>> -> memref<128x128xf32, #tpu.memory_space<hbm>>
    tpu.wait_dma2 semaphore(%arg13 : memref<!tpu.dma_semaphore, #tpu.memory_space<semaphore_mem>>) src(%dma_wait3A_467 : memref<128x128xf32, #tpu.memory_space<hbm>>) dst(%dma_wait3A_464 : memref<128x128xf32, #tpu.memory_space<vmem>>)
    %add3A_468 = arith.constant 12544 : i32
    %add3A_469 = arith.addi %mul3A_2, %add3A_468 : i32
    %dma_start3A_470 = arith.constant 3 : i32
    %dma_start3A_471 = arith.constant 0 : i32
    %dma_start3A_472 = arith.constant 0 : i32
    %dma_start3A_473 = tpu.memref_slice %arg9[%dma_start3A_470, %dma_start3A_471, %dma_start3A_472] : memref<5x128x128xf32, #tpu.memory_space<vmem>> -> memref<1x128x128xf32, #tpu.memory_space<vmem>>
    %dma_start3A_474 = tpu.memref_squeeze %dma_start3A_473 : memref<1x128x128xf32, #tpu.memory_space<vmem>> -> memref<128x128xf32, #tpu.memory_space<vmem>>
    %dma_start3A_475 = arith.constant 0 : i32
    %dma_start3A_476 = tpu.memref_slice %arg6[%add3A_469, %dma_start3A_475] : memref<409600x128xf32, #tpu.memory_space<hbm>> -> memref<128x128xf32, #tpu.memory_space<hbm>>
    %dma_start3A_477 = arith.constant 0 : i32
    %dma_start3A_478 = tpu.memref_slice %arg6[%add3A_469, %dma_start3A_477] : memref<409600x128xf32, #tpu.memory_space<hbm>> -> memref<128x128xf32, #tpu.memory_space<hbm>>
    %dma_start3A_479 = arith.constant 0 : i32
    %dma_start3A_480 = arith.constant 0 : i32
    %dma_start3A_481 = tpu.memref_slice %arg9[%dma_start3A_470, %dma_start3A_479, %dma_start3A_480] : memref<5x128x128xf32, #tpu.memory_space<vmem>> -> memref<1x128x128xf32, #tpu.memory_space<vmem>>
    %dma_start3A_482 = tpu.memref_squeeze %dma_start3A_481 : memref<1x128x128xf32, #tpu.memory_space<vmem>> -> memref<128x128xf32, #tpu.memory_space<vmem>>
    tpu.enqueue_dma source(%dma_start3A_482 : memref<128x128xf32, #tpu.memory_space<vmem>>) target(%dma_start3A_478 : memref<128x128xf32, #tpu.memory_space<hbm>>) target_semaphore(%arg18 : memref<!tpu.dma_semaphore, #tpu.memory_space<semaphore_mem>>)
    %dma_wait3A_483 = arith.constant 4 : i32
    %dma_wait3A_484 = arith.constant 0 : i32
    %dma_wait3A_485 = arith.constant 0 : i32
    %dma_wait3A_486 = tpu.memref_slice %arg9[%dma_wait3A_483, %dma_wait3A_484, %dma_wait3A_485] : memref<5x128x128xf32, #tpu.memory_space<vmem>> -> memref<1x128x128xf32, #tpu.memory_space<vmem>>
    %dma_wait3A_487 = tpu.memref_squeeze %dma_wait3A_486 : memref<1x128x128xf32, #tpu.memory_space<vmem>> -> memref<128x128xf32, #tpu.memory_space<vmem>>
    %dma_wait3A_488 = arith.constant 0 : i32
    %dma_wait3A_489 = arith.constant 0 : i32
    %dma_wait3A_490 = tpu.memref_slice %arg4[%dma_wait3A_488, %dma_wait3A_489] : memref<100000x128xf32, #tpu.memory_space<hbm>> -> memref<128x128xf32, #tpu.memory_space<hbm>>
    %dma_wait3A_491 = arith.constant 0 : i32
    %dma_wait3A_492 = arith.constant 0 : i32
    %dma_wait3A_493 = tpu.memref_slice %arg9[%dma_wait3A_483, %dma_wait3A_491, %dma_wait3A_492] : memref<5x128x128xf32, #tpu.memory_space<vmem>> -> memref<1x128x128xf32, #tpu.memory_space<vmem>>
    %dma_wait3A_494 = tpu.memref_squeeze %dma_wait3A_493 : memref<1x128x128xf32, #tpu.memory_space<vmem>> -> memref<128x128xf32, #tpu.memory_space<vmem>>
    %dma_wait3A_495 = arith.constant 0 : i32
    %dma_wait3A_496 = arith.constant 0 : i32
    %dma_wait3A_497 = tpu.memref_slice %arg4[%dma_wait3A_495, %dma_wait3A_496] : memref<100000x128xf32, #tpu.memory_space<hbm>> -> memref<128x128xf32, #tpu.memory_space<hbm>>
    tpu.wait_dma2 semaphore(%arg14 : memref<!tpu.dma_semaphore, #tpu.memory_space<semaphore_mem>>) src(%dma_wait3A_497 : memref<128x128xf32, #tpu.memory_space<hbm>>) dst(%dma_wait3A_494 : memref<128x128xf32, #tpu.memory_space<vmem>>)
    %add3A_498 = arith.constant 12672 : i32
    %add3A_499 = arith.addi %mul3A_2, %add3A_498 : i32
    %dma_start3A_500 = arith.constant 4 : i32
    %dma_start3A_501 = arith.constant 0 : i32
    %dma_start3A_502 = arith.constant 0 : i32
    %dma_start3A_503 = tpu.memref_slice %arg9[%dma_start3A_500, %dma_start3A_501, %dma_start3A_502] : memref<5x128x128xf32, #tpu.memory_space<vmem>> -> memref<1x128x128xf32, #tpu.memory_space<vmem>>
    %dma_start3A_504 = tpu.memref_squeeze %dma_start3A_503 : memref<1x128x128xf32, #tpu.memory_space<vmem>> -> memref<128x128xf32, #tpu.memory_space<vmem>>
    %dma_start3A_505 = arith.constant 0 : i32
    %dma_start3A_506 = tpu.memref_slice %arg6[%add3A_499, %dma_start3A_505] : memref<409600x128xf32, #tpu.memory_space<hbm>> -> memref<128x128xf32, #tpu.memory_space<hbm>>
    %dma_start3A_507 = arith.constant 0 : i32
    %dma_start3A_508 = tpu.memref_slice %arg6[%add3A_499, %dma_start3A_507] : memref<409600x128xf32, #tpu.memory_space<hbm>> -> memref<128x128xf32, #tpu.memory_space<hbm>>
    %dma_start3A_509 = arith.constant 0 : i32
    %dma_start3A_510 = arith.constant 0 : i32
    %dma_start3A_511 = tpu.memref_slice %arg9[%dma_start3A_500, %dma_start3A_509, %dma_start3A_510] : memref<5x128x128xf32, #tpu.memory_space<vmem>> -> memref<1x128x128xf32, #tpu.memory_space<vmem>>
    %dma_start3A_512 = tpu.memref_squeeze %dma_start3A_511 : memref<1x128x128xf32, #tpu.memory_space<vmem>> -> memref<128x128xf32, #tpu.memory_space<vmem>>
    tpu.enqueue_dma source(%dma_start3A_512 : memref<128x128xf32, #tpu.memory_space<vmem>>) target(%dma_start3A_508 : memref<128x128xf32, #tpu.memory_space<hbm>>) target_semaphore(%arg19 : memref<!tpu.dma_semaphore, #tpu.memory_space<semaphore_mem>>)
    %dma_wait3A_513 = arith.constant 0 : i32
    %dma_wait3A_514 = arith.constant 0 : i32
    %dma_wait3A_515 = arith.constant 0 : i32
    %dma_wait3A_516 = tpu.memref_slice %arg9[%dma_wait3A_513, %dma_wait3A_514, %dma_wait3A_515] : memref<5x128x128xf32, #tpu.memory_space<vmem>> -> memref<1x128x128xf32, #tpu.memory_space<vmem>>
    %dma_wait3A_517 = tpu.memref_squeeze %dma_wait3A_516 : memref<1x128x128xf32, #tpu.memory_space<vmem>> -> memref<128x128xf32, #tpu.memory_space<vmem>>
    %dma_wait3A_518 = arith.constant 0 : i32
    %dma_wait3A_519 = tpu.memref_slice %arg5[%mul3A_2, %dma_wait3A_518] : memref<409600x128xf32, #tpu.memory_space<hbm>> -> memref<128x128xf32, #tpu.memory_space<hbm>>
    %dma_wait3A_520 = arith.constant 0 : i32
    %dma_wait3A_521 = tpu.memref_slice %arg5[%mul3A_2, %dma_wait3A_520] : memref<409600x128xf32, #tpu.memory_space<hbm>> -> memref<128x128xf32, #tpu.memory_space<hbm>>
    %dma_wait3A_522 = arith.constant 0 : i32
    %dma_wait3A_523 = arith.constant 0 : i32
    %dma_wait3A_524 = tpu.memref_slice %arg9[%dma_wait3A_513, %dma_wait3A_522, %dma_wait3A_523] : memref<5x128x128xf32, #tpu.memory_space<vmem>> -> memref<1x128x128xf32, #tpu.memory_space<vmem>>
    %dma_wait3A_525 = tpu.memref_squeeze %dma_wait3A_524 : memref<1x128x128xf32, #tpu.memory_space<vmem>> -> memref<128x128xf32, #tpu.memory_space<vmem>>
    tpu.wait_dma2 semaphore(%arg15 : memref<!tpu.dma_semaphore, #tpu.memory_space<semaphore_mem>>) src(%dma_wait3A_525 : memref<128x128xf32, #tpu.memory_space<vmem>>) dst(%dma_wait3A_521 : memref<128x128xf32, #tpu.memory_space<hbm>>)
    %dma_wait3A_526 = arith.constant 1 : i32
    %dma_wait3A_527 = arith.constant 0 : i32
    %dma_wait3A_528 = arith.constant 0 : i32
    %dma_wait3A_529 = tpu.memref_slice %arg9[%dma_wait3A_526, %dma_wait3A_527, %dma_wait3A_528] : memref<5x128x128xf32, #tpu.memory_space<vmem>> -> memref<1x128x128xf32, #tpu.memory_space<vmem>>
    %dma_wait3A_530 = tpu.memref_squeeze %dma_wait3A_529 : memref<1x128x128xf32, #tpu.memory_space<vmem>> -> memref<128x128xf32, #tpu.memory_space<vmem>>
    %dma_wait3A_531 = arith.constant 0 : i32
    %dma_wait3A_532 = tpu.memref_slice %arg5[%mul3A_2, %dma_wait3A_531] : memref<409600x128xf32, #tpu.memory_space<hbm>> -> memref<128x128xf32, #tpu.memory_space<hbm>>
    %dma_wait3A_533 = arith.constant 0 : i32
    %dma_wait3A_534 = tpu.memref_slice %arg5[%mul3A_2, %dma_wait3A_533] : memref<409600x128xf32, #tpu.memory_space<hbm>> -> memref<128x128xf32, #tpu.memory_space<hbm>>
    %dma_wait3A_535 = arith.constant 0 : i32
    %dma_wait3A_536 = arith.constant 0 : i32
    %dma_wait3A_537 = tpu.memref_slice %arg9[%dma_wait3A_526, %dma_wait3A_535, %dma_wait3A_536] : memref<5x128x128xf32, #tpu.memory_space<vmem>> -> memref<1x128x128xf32, #tpu.memory_space<vmem>>
    %dma_wait3A_538 = tpu.memref_squeeze %dma_wait3A_537 : memref<1x128x128xf32, #tpu.memory_space<vmem>> -> memref<128x128xf32, #tpu.memory_space<vmem>>
    tpu.wait_dma2 semaphore(%arg16 : memref<!tpu.dma_semaphore, #tpu.memory_space<semaphore_mem>>) src(%dma_wait3A_538 : memref<128x128xf32, #tpu.memory_space<vmem>>) dst(%dma_wait3A_534 : memref<128x128xf32, #tpu.memory_space<hbm>>)
    %dma_wait3A_539 = arith.constant 2 : i32
    %dma_wait3A_540 = arith.constant 0 : i32
    %dma_wait3A_541 = arith.constant 0 : i32
    %dma_wait3A_542 = tpu.memref_slice %arg9[%dma_wait3A_539, %dma_wait3A_540, %dma_wait3A_541] : memref<5x128x128xf32, #tpu.memory_space<vmem>> -> memref<1x128x128xf32, #tpu.memory_space<vmem>>
    %dma_wait3A_543 = tpu.memref_squeeze %dma_wait3A_542 : memref<1x128x128xf32, #tpu.memory_space<vmem>> -> memref<128x128xf32, #tpu.memory_space<vmem>>
    %dma_wait3A_544 = arith.constant 0 : i32
    %dma_wait3A_545 = tpu.memref_slice %arg5[%mul3A_2, %dma_wait3A_544] : memref<409600x128xf32, #tpu.memory_space<hbm>> -> memref<128x128xf32, #tpu.memory_space<hbm>>
    %dma_wait3A_546 = arith.constant 0 : i32
    %dma_wait3A_547 = tpu.memref_slice %arg5[%mul3A_2, %dma_wait3A_546] : memref<409600x128xf32, #tpu.memory_space<hbm>> -> memref<128x128xf32, #tpu.memory_space<hbm>>
    %dma_wait3A_548 = arith.constant 0 : i32
    %dma_wait3A_549 = arith.constant 0 : i32
    %dma_wait3A_550 = tpu.memref_slice %arg9[%dma_wait3A_539, %dma_wait3A_548, %dma_wait3A_549] : memref<5x128x128xf32, #tpu.memory_space<vmem>> -> memref<1x128x128xf32, #tpu.memory_space<vmem>>
    %dma_wait3A_551 = tpu.memref_squeeze %dma_wait3A_550 : memref<1x128x128xf32, #tpu.memory_space<vmem>> -> memref<128x128xf32, #tpu.memory_space<vmem>>
    tpu.wait_dma2 semaphore(%arg17 : memref<!tpu.dma_semaphore, #tpu.memory_space<semaphore_mem>>) src(%dma_wait3A_551 : memref<128x128xf32, #tpu.memory_space<vmem>>) dst(%dma_wait3A_547 : memref<128x128xf32, #tpu.memory_space<hbm>>)
    %dma_wait3A_552 = arith.constant 3 : i32
    %dma_wait3A_553 = arith.constant 0 : i32
    %dma_wait3A_554 = arith.constant 0 : i32
    %dma_wait3A_555 = tpu.memref_slice %arg9[%dma_wait3A_552, %dma_wait3A_553, %dma_wait3A_554] : memref<5x128x128xf32, #tpu.memory_space<vmem>> -> memref<1x128x128xf32, #tpu.memory_space<vmem>>
    %dma_wait3A_556 = tpu.memref_squeeze %dma_wait3A_555 : memref<1x128x128xf32, #tpu.memory_space<vmem>> -> memref<128x128xf32, #tpu.memory_space<vmem>>
    %dma_wait3A_557 = arith.constant 0 : i32
    %dma_wait3A_558 = tpu.memref_slice %arg5[%mul3A_2, %dma_wait3A_557] : memref<409600x128xf32, #tpu.memory_space<hbm>> -> memref<128x128xf32, #tpu.memory_space<hbm>>
    %dma_wait3A_559 = arith.constant 0 : i32
    %dma_wait3A_560 = tpu.memref_slice %arg5[%mul3A_2, %dma_wait3A_559] : memref<409600x128xf32, #tpu.memory_space<hbm>> -> memref<128x128xf32, #tpu.memory_space<hbm>>
    %dma_wait3A_561 = arith.constant 0 : i32
    %dma_wait3A_562 = arith.constant 0 : i32
    %dma_wait3A_563 = tpu.memref_slice %arg9[%dma_wait3A_552, %dma_wait3A_561, %dma_wait3A_562] : memref<5x128x128xf32, #tpu.memory_space<vmem>> -> memref<1x128x128xf32, #tpu.memory_space<vmem>>
    %dma_wait3A_564 = tpu.memref_squeeze %dma_wait3A_563 : memref<1x128x128xf32, #tpu.memory_space<vmem>> -> memref<128x128xf32, #tpu.memory_space<vmem>>
    tpu.wait_dma2 semaphore(%arg18 : memref<!tpu.dma_semaphore, #tpu.memory_space<semaphore_mem>>) src(%dma_wait3A_564 : memref<128x128xf32, #tpu.memory_space<vmem>>) dst(%dma_wait3A_560 : memref<128x128xf32, #tpu.memory_space<hbm>>)
    %dma_wait3A_565 = arith.constant 4 : i32
    %dma_wait3A_566 = arith.constant 0 : i32
    %dma_wait3A_567 = arith.constant 0 : i32
    %dma_wait3A_568 = tpu.memref_slice %arg9[%dma_wait3A_565, %dma_wait3A_566, %dma_wait3A_567] : memref<5x128x128xf32, #tpu.memory_space<vmem>> -> memref<1x128x128xf32, #tpu.memory_space<vmem>>
    %dma_wait3A_569 = tpu.memref_squeeze %dma_wait3A_568 : memref<1x128x128xf32, #tpu.memory_space<vmem>> -> memref<128x128xf32, #tpu.memory_space<vmem>>
    %dma_wait3A_570 = arith.constant 0 : i32
    %dma_wait3A_571 = tpu.memref_slice %arg5[%mul3A_2, %dma_wait3A_570] : memref<409600x128xf32, #tpu.memory_space<hbm>> -> memref<128x128xf32, #tpu.memory_space<hbm>>
    %dma_wait3A_572 = arith.constant 0 : i32
    %dma_wait3A_573 = tpu.memref_slice %arg5[%mul3A_2, %dma_wait3A_572] : memref<409600x128xf32, #tpu.memory_space<hbm>> -> memref<128x128xf32, #tpu.memory_space<hbm>>
    %dma_wait3A_574 = arith.constant 0 : i32
    %dma_wait3A_575 = arith.constant 0 : i32
    %dma_wait3A_576 = tpu.memref_slice %arg9[%dma_wait3A_565, %dma_wait3A_574, %dma_wait3A_575] : memref<5x128x128xf32, #tpu.memory_space<vmem>> -> memref<1x128x128xf32, #tpu.memory_space<vmem>>
    %dma_wait3A_577 = tpu.memref_squeeze %dma_wait3A_576 : memref<1x128x128xf32, #tpu.memory_space<vmem>> -> memref<128x128xf32, #tpu.memory_space<vmem>>
    tpu.wait_dma2 semaphore(%arg19 : memref<!tpu.dma_semaphore, #tpu.memory_space<semaphore_mem>>) src(%dma_wait3A_577 : memref<128x128xf32, #tpu.memory_space<vmem>>) dst(%dma_wait3A_573 : memref<128x128xf32, #tpu.memory_space<hbm>>)
    return
  }
}

</mosaic_0001>

<sc_bundles>
// kernel: kernel.3.cloned.1.call-start
scs
__scs_entry_jumppad:
0x0: {  	(pc) =	sbr.rel $0x88, $3  }
0x1: {  	(tag) =	ssettag $0x0;
	lr =	simm.s32 $0x1  }
0x2: {  	[smem:$0x3F9E] =	sst lr;
	_ =	strace $0xD0000000  }
0x3: {  	_ = 	snop  }
0x4: {  	_ = 	snop  }
0x5: {  	_ = 	snop  }
0x6: {  	_ = 	snop  }
0x7: {  	_ = 	snop  }
__scs_overlays_trampoline_lowered:
0x8: {  	[smem:$0x3FAD] =	sst s0  }
0x9: {  	[smem:$0x3FAE] =	sst s1  }
0xa: {  	[smem:$0x3FAF] =	sst s2  }
0xb: {  	[smem:$0x3FB0] =	sst s3  }
0xc: {  	[smem:$0x3FB1] =	sst s4  }
0xd: {  	[smem:$0x3FB2] =	sst s5  }
0xe: {  	[smem:$0x3FB3] =	sst s6  }
0xf: {  	[smem:$0x3FB4] =	sst s7  }
0x10: {  	[smem:$0x3FB5] =	sst s8  }
0x11: {  	[smem:$0x3FB6] =	sst s9;
	s0 =	simm.s32 @!p0 $0x0  }
0x12: {  	s1 =	sld [smem:$0x3F9C];
	s0 =	simm.s32 @p0 $0x1  }
0x13: {  	[smem:$0x3FB7] =	sst s0;
	s0 =	simm.s32 @!p1 $0x0  }
0x14: {  	s2 =	sld [smem:$0x3F9B];
	s0 =	simm.s32 @p1 $0x1  }
0x15: {  	[smem:$0x3FB8] =	sst s0;
	s0 =	simm.s32 @!p2 $0x0  }
0x16: {  	s3 =	sld [smem:$0x3FDB];
	s0 =	simm.s32 @p2 $0x1  }
0x17: {  	s4 =	simm.s32 $0x1BF5;
	[smem:$0x3FBA] =	sst s0  }
0x18: {  	s0 =	sld [smem:$0x3F9D];
	_ =	swait.ge [sflag:s4], $0x0  }
0x19: {  	s7 =	sld [smem:$0x3F9E]  }
0x1a: {  	s8 =	sadd.s32 $0xFFFFE003, lr  }
0x1b: {  	s9 =	sadd.s32 $0xFFFFFEF7, lr;
	s5 =	simm.s32 $0xFFFFFFFF;
	p2 =	slt.u32 s8, $0xFFFFF086  }
0x1c: {  	p1 =	slt.u32 s9, $0xF7A;
	s5 =	simm.s32 @!p2 $0x0  }
0x1d: {  	s5 =	simm.s32 @p1 $0x1;
	p0 =	seq.s32 s7, s2  }
0x1e: {  	s7 =	smul.u32 @!p0 $0xF7A, s2;
	p2 =	seq.s32 @!p0 s5, $0x0  }
0x1f: {  	s9 =	smul.u32 $0xF7A, s1;
	s8 =	simm.s32 @!p0 $0x1BF5;
	p2 =	por !p2, p0  }
0x20: {  	[sflag:s8] =	ssyncset.s32 @!p0 $0xFFFFF086;
	s6 =	sadd.s32 @!p0 s3, s7;
	s7 =	simm.s32 @!p0 $0x108  }
0x21: {  	s3 =	sadd.s32 s3, s9;
	s6 =	sadd.s32 @!p0 $0x88, s6;
	s7 =	simm.s32 @p2 $0x1082  }
0x22: {  	[simem:s7], [sflag:s8] =	dma.local @!p0 [hbm:s6], $0xF7A  }
0x23: {  	s9 =	sor.u32 $0xD0000000, s2;
	s6 =	simm.s32 $0x108;
	_ =	swait.ge @!p0 [sflag:s8], $0x0  }
0x24: {  	s3 =	sadd.s32 $0x88, s3;
	s6 =	simm.s32 @!p1 $0x1082;
	[sflag:s4] =	ssyncset.s32 $0xFFFFF086  }
0x25: {  	[simem:s6], [sflag:s4] =	dma.local [hbm:s3], $0xF7A  }
0x26: {  	[smem:$0x3F9E] =	sst s1;
	(tag) =	ssettag s2;
	_ =	strace s9  }
0x27: {  	s1 =	sld [smem:$0x3FAE]  }
0x28: {  	s2 =	sld [smem:$0x3FAF]  }
0x29: {  	s4 =	sld [smem:$0x3FB1]  }
0x2a: {  	p0 =	seq.s32 s5, $0x0;
	s5 =	sld [smem:$0x3FB2]  }
0x2b: {  	s6 =	sld [smem:$0x3FB3]  }
0x2c: {  	s7 =	sld [smem:$0x3FB4]  }
0x2d: {  	s3 =	simm.s32 $0x108;
	s8 =	sld [smem:$0x3FB5]  }
0x2e: {  	s3 =	simm.s32 @!p0 $0x1082;
	s9 =	sld [smem:$0x3FB6]  }
0x2f: {  	lr =	sadd.s32 s0, s3;
	s0 =	sld [smem:$0x3FAD]  }
0x30: {  	s3 =	sld [smem:$0x3FB0]  }
0x31: {  	[smem:$0x3FB9] =	sst s10  }
0x32: {  	s10 =	sld [smem:$0x3FB7];
	_ =	sdelay $0x3  }
0x33: {  	p0 =	seq.s32 s10, $0x1;
	s10 =	sld [smem:$0x3FB9];
	_ =	sdelay $0x3  }
0x34: {  	[smem:$0x3FB9] =	sst s10  }
0x35: {  	s10 =	sld [smem:$0x3FB8];
	_ =	sdelay $0x3  }
0x36: {  	p1 =	seq.s32 s10, $0x1;
	s10 =	sld [smem:$0x3FB9];
	_ =	sdelay $0x3  }
0x37: {  	[smem:$0x3FB9] =	sst s10  }
0x38: {  	s10 =	sld [smem:$0x3FBA]  }
0x39: {  	_ = 	snop;
	(pc) =	sbr.ind lr, $3  }
0x3a: {  	_ = 	snop  }
0x3b: {  	_ = 	snop  }
0x3c: {  	p2 =	seq.s32 s10, $0x1;
	s10 =	sld [smem:$0x3FB9]  }
0x3d: {  	_ =	shalt  }
0x3e: {  	_ =	shalt  }
0x3f: {  	_ =	shalt  }
0x40: {  	_ =	shalt  }
0x41: {  	_ =	shalt  }
0x42: {  	_ =	shalt  }
0x43: {  	_ =	shalt  }
0x44: {  	_ =	shalt  }
0x45: {  	_ =	shalt  }
0x46: {  	_ =	shalt  }
0x47: {  	_ =	shalt  }
0x48: {  	_ =	shalt  }
0x49: {  	_ =	shalt  }
0x4a: {  	_ =	shalt  }
0x4b: {  	_ =	shalt  }
0x4c: {  	_ =	shalt  }
0x4d: {  	_ =	shalt  }
0x4e: {  	_ =	shalt  }
0x4f: {  	_ =	shalt  }
0x50: {  	_ =	shalt  }
0x51: {  	_ =	shalt  }
0x52: {  	_ =	shalt  }
0x53: {  	_ =	shalt  }
0x54: {  	_ =	shalt  }
0x55: {  	_ =	shalt  }
0x56: {  	_ =	shalt  }
0x57: {  	_ =	shalt  }
0x58: {  	_ =	shalt  }
0x59: {  	_ =	shalt  }
0x5a: {  	_ =	shalt  }
0x5b: {  	_ =	shalt  }
0x5c: {  	_ =	shalt  }
0x5d: {  	_ =	shalt  }
0x5e: {  	_ =	shalt  }
0x5f: {  	_ =	shalt  }
0x60: {  	_ =	shalt  }
0x61: {  	_ =	shalt  }
0x62: {  	_ =	shalt  }
0x63: {  	_ =	shalt  }
0x64: {  	_ =	shalt  }
0x65: {  	_ =	shalt  }
0x66: {  	_ =	shalt  }
0x67: {  	_ =	shalt  }
0x68: {  	_ =	shalt  }
0x69: {  	_ =	shalt  }
0x6a: {  	_ =	shalt  }
0x6b: {  	_ =	shalt  }
0x6c: {  	_ =	shalt  }
0x6d: {  	_ =	shalt  }
0x6e: {  	_ =	shalt  }
0x6f: {  	_ =	shalt  }
0x70: {  	_ =	shalt  }
0x71: {  	_ =	shalt  }
0x72: {  	_ =	shalt  }
0x73: {  	_ =	shalt  }
0x74: {  	_ =	shalt  }
0x75: {  	_ =	shalt  }
0x76: {  	_ =	shalt  }
0x77: {  	_ =	shalt  }
0x78: {  	_ =	shalt  }
0x79: {  	_ =	shalt  }
0x7a: {  	_ =	shalt  }
0x7b: {  	_ =	shalt  }
0x7c: {  	_ =	shalt  }
0x7d: {  	_ =	shalt  }
0x7e: {  	_ =	shalt  }
0x7f: {  	_ =	shalt  }
0x80: {  	_ =	shalt  }
0x81: {  	_ =	shalt  }
0x82: {  	_ =	shalt  }
0x83: {  	_ =	shalt  }
0x84: {  	_ =	shalt  }
0x85: {  	_ =	shalt  }
0x86: {  	_ =	shalt  }
0x87: {  	_ =	shalt  }
.Lfunc_end0:
.L_simem_size_0:
called_computation_lowered:
.L_overlay_start_0:
0x88: {  	s2 =	sld [smem:$0x3FD9]  }
0x89: {  	s3 =	sld [smem:$0x3FFE];
	_ =	sdelay $0x1  }
0x8a: {  	s1 =	srdreg.scid  }
0x8b: {  	s0 =	sand.u32 $0x1, s1  }
0x8c: {  	s14 =	sshll.u32 s0, $0xA;
	s2 =	sadd.s32 s3, s2  }
0x8d: {  	s2 =	sadd.s32 s2, s14  }
0x8e: {  	[smem:$0x3FC5] =	sst s2  }
0x8f: {  	_ = 	snop  }
0x90: {  	s2 =	sld [smem:$0x3FD0];
	_ =	sdelay $0x2  }
0x91: {  	s4 =	simm.s32 $0xA;
	s5 =	simm.s32 $0x10;
	s15 =	sld [smem:$0x3FC7]  }
0x92: {  	[smem:s5], [sflag:s4] =	dma.local [hbm:s2], $0x1  }
0x93: {  	_ =	swait.eq [sflag:s4], $0x1  }
0x94: {  	[sflag:s4] =	ssyncset.done $0x0  }
0x95: {  	s16 =	sld [smem:$0x10];
	[sflag:s4] =	ssyncadd.s32 $0xFFFFFFFF  }
0x96: {  	s17 =	sld [smem:$0x11];
	(tm) =	ssettm $0x1  }
0x97: {  	s18 =	sld [smem:$0x3FFB];
	_ =	sdelay $0x3  }
0x98: {  	_ =	strace s18  }
0x99: {  	s5 =	sld [smem:$0x3FFC];
	_ =	sdelay $0x3  }
0x9a: {  	_ =	strace s5  }
0x9b: {  	s5 =	sld [smem:$0x3FFD];
	_ =	sdelay $0x3  }
0x9c: {  	_ =	strace s5  }
0x9d: {  	_ =	strace $0x8FFFFFFF  }
0x9e: {  	s19 =	sld [smem:$0x3FDB];
	_ =	sdelay $0x1  }
0x9f: {  	s6 =	simm.s32 $_scs_section_size  }
0xa0: {  	s7 =	simm.s32 $_size__tile_overlayer_lowered;
	s8 =	simm.s32 $_tile_overlayer_lowered  }
0xa1: {  	s22 =	simm.s32 $0x1BFF;
	s21 =	sshll.u32 s8, $0x1;
	s5 =	sadd.s32 s6, s19  }
0xa2: {  	s9 =	simm.s32 $0x0;
	s20 =	sshll.u32 s7, $0x1;
	s7 =	sadd.s32 s21, s5  }
0xa3: {  	[timem:s9], [sflag:s22] =	dma.local [hbm:s7], s20  }
0xa4: {  	_ =	swait.ge [sflag:s22], s20  }
0xa5: {  	s6 =	ssub.s32 $0x0, s20;
	[sflag:s22] =	ssyncset.done $0x0  }
0xa6: {  	[sflag:s22] =	ssyncadd.s32 s6;
	_ =	sdelay $0x1  }
0xa7: {  	s23 =	simm.s32 $0x1B8B  }
0xa8: {  	_ =	swait.ge [sflag:s23], $0x1  }
0xa9: {  	[sflag:s23] =	ssyncset.done $0x0  }
0xaa: {  	s25 =	simm.s32 $0x1B8E;
	s24 =	sld [smem:$0x3FFE];
	[sflag:s23] =	ssyncadd.s32 $0xFFFFFFFF  }
0xab: {  	s26 =	simm.s32 $execute0_lowered;
	[smem:$0x3FD2] =	sst s25  }
0xac: {  	s7 =	sshll.u32 s26, $0x1;
	_ =	strace $0x80000046;
	[dreg:$0x1] =	wrdreg $0xFFFFFFFF  }
0xad: {  	s28 =	simm.s32 $_size_execute0_lowered;
	s5 =	sadd.s32 s5, s7;
	[dreg:$0x0] =	wrdreg $0x0  }
0xae: {  	s7 =	sshll.u32 s28, $0x1;
	[dreg:$0x2] =	wrdreg s5  }
0xaf: {  	[dreg:$0x3] =	wrdreg s7  }
0xb0: {  	[dreg:$0x4] =	wrdreg $0xC0  }
0xb1: {  	_ =	task [dreg:s9], $0x5FFFF  }
0xb2: {  	[dreg:$0x1] =	wrdreg $0xFFFFFFFF  }
0xb3: {  	[dreg:$0x0] =	wrdreg $0x60  }
0xb4: {  	[dreg:$0x2] =	wrdreg s24  }
0xb5: {  	[dreg:$0x3] =	wrdreg s15  }
0xb6: {  	[dreg:$0x4] =	wrdreg s16  }
0xb7: {  	[dreg:$0x5] =	wrdreg s17  }
0xb8: {  	[dreg:$0x6] =	wrdreg $0x9  }
0xb9: {  	_ =	task.clear_ibuf [dreg:s9], $0x7FFFF;
	_ =	strace $0x90000046  }
0xba: {  	s29 =	simm.s32 $0x9;
	_ =	strace $0x80000048  }
0xbb: {  	_ =	swait.ge [sflag:s29], $0x1  }
0xbc: {  	[sflag:s29] =	ssyncadd.s32 $0xFFFFFFFF  }
0xbd: {  	_ =	strace $0x90000048  }
0xbe: {  	_ =	sfence  }
0xbf: {  	s30 =	sld [smem:$0x0];
	_ =	sdelay $0x2  }
0xc0: {  	s31 =	sshll.u32 s1, $0xD;
	s1 =	sshrl.u32 s1, $0x2  }
0xc1: {  	s3 =	sand.u32 $0x4000, s31;
	s1 =	sadd.s32 s1, s30  }
0xc2: {  	s0 =	sor.u32 s3, s0;
	s1 =	sshll.u32 s1, $0x11  }
0xc3: {  	s0 =	sor.u32 s1, s0  }
0xc4: {  	s0 =	sadd.s32 $0x8F2B, s0  }
0xc5: {  	[sflag:s0] =	ssyncadd.remote.s32 $0x1  }
0xc6: {  	_ =	sfence.sel $0xFFFF  }
0xc7: {  	[dreg:$0x0] =	wrdreg $0xFFFFFFFF;
	(pc) =	sbr.abs _section_cstart, $3  }
0xc8: {  	[dreg:$0x1] =	wrdreg $0xFFFFFFFF  }
0xc9: {  	_ =	task.clear_ibuf [dreg:s9], $0x2FFFF;
	_ =	strace $0x9FFFFFFF  }
0xca: {  	(tm) =	ssettm $0x7FFFFFFF  }
0xcb: {  	_ =	shalt  }
tec
execute0_lowered:
.L_overlay_start_1:
0x0: {  	(tag) =	ssettag $0x1  }
0x1: {  	s0 =	rddreg [dreg:$0x0]  }
0x2: {  	s1 =	rddreg [dreg:$0x1]  }
0x3: {  	s2 =	srdreg.scid;
	s4 =	rddreg [dreg:$0x2]  }
0x4: {  	s11 =	stileid.u32;
	s5 =	rddreg [dreg:$0x3]  }
0x5: {  	s28 =	simm.s32 $0x12800;
	s30 =	simm.s32 $0x16800;
	s31 =	simm.s32 $0x1  }
0x6: {  	s2 =	sand.u32 $0x1, s2;
	s3 =	sshll.u32 s11, $0x1;
	s22 =	smul.u32 $0x64000, s11  }
0x7: {  	s29 =	simm.s32 $0x7;
	s6 =	sor.u32 s2, s3;
	s24 =	smul.u32 $0x32000, s2  }
0x8: {  	s3 =	simm.s32 $0x0;
	s8 =	ssub.s32 $0x2, s2;
	s7 =	smul.u32 $0x680, s6  }
0x9: {  	[smem:$0x7FF] =	sst s3;
	s6 =	smul.u32 $0x190000, s6;
	s14 =	sshrl.u32 s8, $0x1  }
0xa: {  	s25 =	sadd.s32 s22, s4;
	s26 =	sadd.s32 s22, s5;
	s22 =	simm.s32 $0x6800  }
0xb: {  	_ =	strace $0x80000047;
	s2 =	sadd.s32 s24, s25;
	s25 =	simm.s32 $0xE800  }
0xc: {  	s0 =	sadd.s32 s7, s0;
	s6 =	sshrl.u32 s6, $0x3;
	s7 =	ssub.s32 s8, s14  }
0xd: {  	s15 =	sadd.s32 $0xA00, s0;
	s16 =	sadd.s32 $0x2F800, s6;
	s0 =	sadd.s32 $0xDA00, s0  }
0xe: {  	s18 =	sadd.s32 $0x30000, s6;
	s19 =	sadd.s32 $0x30800, s6;
	[dreg:$0x5] =	wrdreg s15  }
0xf: {  	s10 =	sadd.s32 $0x31000, s6;
	[dreg:$0x6] =	wrdreg s0;
	s17 =	sadd.s32 s4, s16  }
0x10: {  	s6 =	sadd.s32 $0x31800, s6;
	s9 =	sadd.s32 s4, s18;
	[dreg:$0x7] =	wrdreg s17  }
0x11: {  	s12 =	sadd.s32 s4, s19;
	s20 =	sadd.s32 s4, s10;
	[dreg:$0x8] =	wrdreg s9  }
0x12: {  	s21 =	sadd.s32 s4, s6;
	s8 =	sadd.s32 s5, s16;
	[dreg:$0x9] =	wrdreg s12  }
0x13: {  	s0 =	sadd.s32 s5, s18;
	s23 =	sadd.s32 s5, s19;
	[dreg:$0xa] =	wrdreg s20  }
0x14: {  	s14 =	sadd.s32 s5, s10;
	s15 =	sadd.s32 s5, s6;
	[dreg:$0xb] =	wrdreg s21  }
0x15: {  	s16 =	smax.u32 s7, $0x1;
	s19 =	simm.s32 $0xC;
	[dreg:$0xc] =	wrdreg s8  }
0x16: {  	s4 =	simm.s32 $0x5;
	s5 =	simm.s32 $0x8;
	[dreg:$0xd] =	wrdreg s0  }
0x17: {  	s6 =	simm.s32 $0x9;
	s7 =	simm.s32 $0xA;
	[dreg:$0xe] =	wrdreg s23  }
0x18: {  	s0 =	sadd.s32 s24, s26;
	s17 =	sadd.s32 $0x2000, s2;
	s20 =	simm.s32 $0x3400  }
0x19: {  	s21 =	simm.s32 $0x80;
	s23 =	simm.s32 $0xA800;
	s2 =	simm.s32 $0x2  }
0x1a: {  	s24 =	simm.s32 $0x6;
	s26 =	simm.s32 $0x4;
	s8 =	simm.s32 $0xB  }
0x1b: {  	s9 =	simm.s32 $0x0;
	s18 =	sadd.s32 $0x2000, s0;
	s0 =	simm.s32 $0x3  }
.LBB2_1:
0x1c: {  	s10 =	rddreg [dreg:$0x5]  }
0x1d: {  	[tilespmem:s3], [sflag:$0xC] =	stream.linear.gather [hbm4b:s10+s3], $0x3200, $0x38;
	[tilespmem:$0x1A800] =	vst v63  }
0x1e: {  	_ =	swait.ge [sflag:s19], $0x3200  }
0x1f: {  	[sflag:s19] =	ssyncset.done $0x0  }
0x20: {  	s11 =	rddreg [dreg:$0x6];
	[sflag:s19] =	ssyncadd.s32 $0xFFFFCE00  }
0x21: {  	[tilespmem:s20], [sflag:$0xB] =	stream.linear.gather [hbm4b:s11+s3], $0x3200, $0x38;
	[tilespmem:$0x1A800] =	vst v63  }
0x22: {  	_ = 	snop  }
0x23: {  	[tilespmem:s22], [sflag:$0x1] =	stream.indirect.gather [hbm4b:s1+s21], $0x80, s3, s21, $0xb8;
	[tilespmem:$0x1A800] =	vst v63  }
0x24: {  	_ = 	snop  }
0x25: {  	[tilespmem:s23], [sflag:$0x2] =	stream.indirect.gather [hbm4b:s1+s21], $0x80, s21, s21, $0xb8;
	[tilespmem:$0x1A800] =	vst v63  }
0x26: {  	s12 =	simm.s32 $0x100  }
0x27: {  	[tilespmem:s25], [sflag:$0x3] =	stream.indirect.gather [hbm4b:s1+s21], $0x80, s12, s21, $0xb8;
	[tilespmem:$0x1A800] =	vst v63  }
0x28: {  	s13 =	simm.s32 $0x180  }
0x29: {  	[tilespmem:s28], [sflag:$0x4] =	stream.indirect.gather [hbm4b:s1+s21], $0x80, s13, s21, $0xb8;
	[tilespmem:$0x1A800] =	vst v63  }
0x2a: {  	s11 =	simm.s32 $0x200  }
0x2b: {  	[tilespmem:s30], [sflag:$0x5] =	stream.indirect.gather [hbm4b:s1+s21], $0x80, s11, s21, $0xb8;
	[tilespmem:$0x1A800] =	vst v63  }
0x2c: {  	_ =	swait.ge [sflag:s31], $0x4000  }
0x2d: {  	[sflag:s31] =	ssyncset.done $0x0  }
0x2e: {  	s12 =	sadd.s32 $0xFFFFE000, s17;
	[sflag:s31] =	ssyncadd.s32 $0xFFFFC000  }
0x2f: {  	[hbm4b:s12+s3] =	stream.linear.scatter [tilespmem:s22], [sflag:$0x6], $0x4000, $0x38;
	[tilespmem:$0x1A800] =	vst v63  }
0x30: {  	_ =	swait.ge [sflag:s2], $0x4000  }
0x31: {  	[sflag:s2] =	ssyncset.done $0x0  }
0x32: {  	s13 =	sadd.s32 $0xFFFFE800, s17;
	[sflag:s2] =	ssyncadd.s32 $0xFFFFC000  }
0x33: {  	[hbm4b:s13+s3] =	stream.linear.scatter [tilespmem:s23], [sflag:$0x7], $0x4000, $0x38;
	[tilespmem:$0x1A800] =	vst v63  }
0x34: {  	_ =	swait.ge [sflag:s0], $0x4000  }
0x35: {  	[sflag:s0] =	ssyncset.done $0x0  }
0x36: {  	s11 =	sadd.s32 $0xFFFFF000, s17;
	[sflag:s0] =	ssyncadd.s32 $0xFFFFC000  }
0x37: {  	[hbm4b:s11+s3] =	stream.linear.scatter [tilespmem:s25], [sflag:$0x8], $0x4000, $0x38;
	[tilespmem:$0x1A800] =	vst v63  }
0x38: {  	_ =	swait.ge [sflag:s24], $0x4000  }
0x39: {  	[sflag:s24] =	ssyncset.done $0x0  }
0x3a: {  	s12 =	simm.s32 $0x280;
	[sflag:s24] =	ssyncadd.s32 $0xFFFFC000  }
0x3b: {  	[tilespmem:s22], [sflag:$0x1] =	stream.indirect.gather [hbm4b:s1+s21], $0x80, s12, s21, $0xb8;
	[tilespmem:$0x1A800] =	vst v63  }
0x3c: {  	_ =	swait.ge [sflag:s26], $0x4000  }
0x3d: {  	[sflag:s26] =	ssyncset.done $0x0  }
0x3e: {  	s13 =	sadd.s32 $0xFFFFF800, s17;
	[sflag:s26] =	ssyncadd.s32 $0xFFFFC000  }
0x3f: {  	[hbm4b:s13+s3] =	stream.linear.scatter [tilespmem:s28], [sflag:$0x9], $0x4000, $0x38;
	[tilespmem:$0x1A800] =	vst v63  }
0x40: {  	_ =	swait.ge [sflag:s29], $0x4000  }
0x41: {  	[sflag:s29] =	ssyncset.done $0x0  }
0x42: {  	s11 =	simm.s32 $0x300;
	[sflag:s29] =	ssyncadd.s32 $0xFFFFC000  }
0x43: {  	[tilespmem:s23], [sflag:$0x2] =	stream.indirect.gather [hbm4b:s1+s21], $0x80, s11, s21, $0xb8;
	[tilespmem:$0x1A800] =	vst v63  }
0x44: {  	_ =	swait.ge [sflag:s4], $0x4000  }
0x45: {  	[sflag:s4] =	ssyncset.done $0x0  }
0x46: {  	[sflag:s4] =	ssyncadd.s32 $0xFFFFC000  }
0x47: {  	[hbm4b:s17+s3] =	stream.linear.scatter [tilespmem:s30], [sflag:$0xA], $0x4000, $0x38;
	[tilespmem:$0x1A800] =	vst v63  }
0x48: {  	_ =	swait.ge [sflag:s5], $0x4000  }
0x49: {  	[sflag:s5] =	ssyncset.done $0x0  }
0x4a: {  	s12 =	simm.s32 $0x380;
	[sflag:s5] =	ssyncadd.s32 $0xFFFFC000  }
0x4b: {  	[tilespmem:s25], [sflag:$0x3] =	stream.indirect.gather [hbm4b:s1+s21], $0x80, s12, s21, $0xb8;
	[tilespmem:$0x1A800] =	vst v63  }
0x4c: {  	_ =	swait.ge [sflag:s6], $0x4000  }
0x4d: {  	[sflag:s6] =	ssyncset.done $0x0  }
0x4e: {  	s13 =	simm.s32 $0x400;
	[sflag:s6] =	ssyncadd.s32 $0xFFFFC000  }
0x4f: {  	[tilespmem:s28], [sflag:$0x4] =	stream.indirect.gather [hbm4b:s1+s21], $0x80, s13, s21, $0xb8;
	[tilespmem:$0x1A800] =	vst v63  }
0x50: {  	_ =	swait.ge [sflag:s7], $0x4000  }
0x51: {  	s10 =	simm.s32 $0xA00;
	[sflag:s7] =	ssyncset.done $0x0  }
0x52: {  	s11 =	sadd.s32 $0x2800, s17;
	s12 =	simm.s32 $0x480;
	[sflag:s7] =	ssyncadd.s32 $0xFFFFC000  }
.LBB2_2:
0x53: {  	[tilespmem:s30], [sflag:$0x5] =	stream.indirect.gather [hbm4b:s1+s21], $0x80, s12, s21, $0xb8;
	[tilespmem:$0x1A800] =	vst v63  }
0x54: {  	s12 =	smov.u32 s10  }
0x55: {  	p0 =	sne.s32 s10, $0xB400;
	s10 =	sadd.s32 $0xA00, s10;
	_ =	swait.ge [sflag:s31], $0x4000  }
0x56: {  	[sflag:s31] =	ssyncset.done $0x0  }
0x57: {  	s13 =	sadd.s32 $0xFFFFE000, s11;
	[sflag:s31] =	ssyncadd.s32 $0xFFFFC000  }
0x58: {  	[hbm4b:s13+s3] =	stream.linear.scatter [tilespmem:s22], [sflag:$0x6], $0x4000, $0x38;
	[tilespmem:$0x1A800] =	vst v63  }
0x59: {  	_ =	swait.ge [sflag:s2], $0x4000  }
0x5a: {  	[sflag:s2] =	ssyncset.done $0x0  }
0x5b: {  	s13 =	sadd.s32 $0xFFFFE800, s11;
	[sflag:s2] =	ssyncadd.s32 $0xFFFFC000  }
0x5c: {  	[hbm4b:s13+s3] =	stream.linear.scatter [tilespmem:s23], [sflag:$0x7], $0x4000, $0x38;
	[tilespmem:$0x1A800] =	vst v63  }
0x5d: {  	_ =	swait.ge [sflag:s0], $0x4000  }
0x5e: {  	[sflag:s0] =	ssyncset.done $0x0  }
0x5f: {  	s13 =	sadd.s32 $0xFFFFF000, s11;
	[sflag:s0] =	ssyncadd.s32 $0xFFFFC000  }
0x60: {  	[hbm4b:s13+s3] =	stream.linear.scatter [tilespmem:s25], [sflag:$0x8], $0x4000, $0x38;
	[tilespmem:$0x1A800] =	vst v63  }
0x61: {  	_ =	swait.ge [sflag:s24], $0x4000  }
0x62: {  	s12 =	sshra.s32 s12, $0x2;
	[sflag:s24] =	ssyncset.done $0x0  }
0x63: {  	s13 =	sadd.s32 $0x280, s12;
	[sflag:s24] =	ssyncadd.s32 $0xFFFFC000  }
0x64: {  	[tilespmem:s22], [sflag:$0x1] =	stream.indirect.gather [hbm4b:s1+s21], $0x80, s13, s21, $0xb8;
	[tilespmem:$0x1A800] =	vst v63  }
0x65: {  	_ =	swait.ge [sflag:s26], $0x4000  }
0x66: {  	[sflag:s26] =	ssyncset.done $0x0  }
0x67: {  	s13 =	sadd.s32 $0xFFFFF800, s11;
	[sflag:s26] =	ssyncadd.s32 $0xFFFFC000  }
0x68: {  	[hbm4b:s13+s3] =	stream.linear.scatter [tilespmem:s28], [sflag:$0x9], $0x4000, $0x38;
	[tilespmem:$0x1A800] =	vst v63  }
0x69: {  	_ =	swait.ge [sflag:s29], $0x4000  }
0x6a: {  	[sflag:s29] =	ssyncset.done $0x0  }
0x6b: {  	s13 =	sadd.s32 $0x300, s12;
	[sflag:s29] =	ssyncadd.s32 $0xFFFFC000  }
0x6c: {  	[tilespmem:s23], [sflag:$0x2] =	stream.indirect.gather [hbm4b:s1+s21], $0x80, s13, s21, $0xb8;
	[tilespmem:$0x1A800] =	vst v63  }
0x6d: {  	_ =	swait.ge [sflag:s4], $0x4000  }
0x6e: {  	[sflag:s4] =	ssyncset.done $0x0  }
0x6f: {  	[sflag:s4] =	ssyncadd.s32 $0xFFFFC000  }
0x70: {  	[hbm4b:s11+s3] =	stream.linear.scatter [tilespmem:s30], [sflag:$0xA], $0x4000, $0x38;
	[tilespmem:$0x1A800] =	vst v63  }
0x71: {  	_ =	swait.ge [sflag:s5], $0x4000  }
0x72: {  	[sflag:s5] =	ssyncset.done $0x0  }
0x73: {  	s13 =	sadd.s32 $0x380, s12;
	[sflag:s5] =	ssyncadd.s32 $0xFFFFC000  }
0x74: {  	[tilespmem:s25], [sflag:$0x3] =	stream.indirect.gather [hbm4b:s1+s21], $0x80, s13, s21, $0xb8;
	[tilespmem:$0x1A800] =	vst v63  }
0x75: {  	_ =	swait.ge [sflag:s6], $0x4000  }
0x76: {  	[sflag:s6] =	ssyncset.done $0x0  }
.Ltmp0:
0x77: {  	s13 =	sadd.s32 $0x400, s12;
	[sflag:s6] =	ssyncadd.s32 $0xFFFFC000;
	(pc) =	sbr.rel @p0 .LBB2_2-.Ltmp0, $4  }
0x78: {  	[tilespmem:s28], [sflag:$0x4] =	stream.indirect.gather [hbm4b:s1+s21], $0x80, s13, s21, $0xb8;
	[tilespmem:$0x1A800] =	vst v63  }
0x79: {  	_ =	swait.ge [sflag:s7], $0x4000  }
0x7a: {  	[sflag:s7] =	ssyncset.done $0x0  }
0x7b: {  	s11 =	sadd.s32 $0x2800, s11;
	s12 =	sadd.s32 $0x480, s12;
	[sflag:s7] =	ssyncadd.s32 $0xFFFFC000  }
0x7c: {  	[tilespmem:s30], [sflag:$0x5] =	stream.indirect.gather [hbm4b:s1+s21], $0x80, s12, s21, $0xb8;
	[tilespmem:$0x1A800] =	vst v63  }
0x7d: {  	_ =	swait.ge [sflag:s8], $0x3200  }
0x7e: {  	[sflag:s8] =	ssyncset.done $0x0  }
0x7f: {  	[sflag:s8] =	ssyncadd.s32 $0xFFFFCE00  }
0x80: {  	_ =	swait.ge [sflag:s31], $0x4000  }
0x81: {  	[sflag:s31] =	ssyncset.done $0x0  }
0x82: {  	s10 =	simm.s32 $0x0;
	s11 =	rddreg [dreg:$0x7];
	[sflag:s31] =	ssyncadd.s32 $0xFFFFC000  }
0x83: {  	[hbm4b:s11+s10] =	stream.linear.scatter [tilespmem:s22], [sflag:$0x6], $0x4000, $0x38;
	[tilespmem:$0x1A800] =	vst v63  }
0x84: {  	_ =	swait.ge [sflag:s2], $0x4000  }
0x85: {  	[sflag:s2] =	ssyncset.done $0x0  }
0x86: {  	s13 =	rddreg [dreg:$0x8];
	[sflag:s2] =	ssyncadd.s32 $0xFFFFC000  }
0x87: {  	[hbm4b:s13+s10] =	stream.linear.scatter [tilespmem:s23], [sflag:$0x7], $0x4000, $0x38;
	[tilespmem:$0x1A800] =	vst v63  }
0x88: {  	_ =	swait.ge [sflag:s0], $0x4000  }
0x89: {  	[sflag:s0] =	ssyncset.done $0x0  }
0x8a: {  	s12 =	rddreg [dreg:$0x9];
	[sflag:s0] =	ssyncadd.s32 $0xFFFFC000  }
0x8b: {  	[hbm4b:s12+s10] =	stream.linear.scatter [tilespmem:s25], [sflag:$0x8], $0x4000, $0x38;
	[tilespmem:$0x1A800] =	vst v63  }
0x8c: {  	_ =	swait.ge [sflag:s24], $0x4000  }
0x8d: {  	[sflag:s24] =	ssyncset.done $0x0  }
0x8e: {  	[sflag:s24] =	ssyncadd.s32 $0xFFFFC000  }
0x8f: {  	[tilespmem:s22], [sflag:$0x1] =	stream.indirect.gather [hbm4b:s1+s21], $0x80, s20, s21, $0xb8;
	[tilespmem:$0x1A800] =	vst v63  }
0x90: {  	_ =	swait.ge [sflag:s26], $0x4000  }
0x91: {  	[sflag:s26] =	ssyncset.done $0x0  }
0x92: {  	s13 =	rddreg [dreg:$0xa];
	[sflag:s26] =	ssyncadd.s32 $0xFFFFC000  }
0x93: {  	[hbm4b:s13+s10] =	stream.linear.scatter [tilespmem:s28], [sflag:$0x9], $0x4000, $0x38;
	[tilespmem:$0x1A800] =	vst v63  }
0x94: {  	_ =	swait.ge [sflag:s29], $0x4000  }
0x95: {  	[sflag:s29] =	ssyncset.done $0x0  }
0x96: {  	s12 =	simm.s32 $0x3480;
	[sflag:s29] =	ssyncadd.s32 $0xFFFFC000  }
0x97: {  	[tilespmem:s23], [sflag:$0x2] =	stream.indirect.gather [hbm4b:s1+s21], $0x80, s12, s21, $0xb8;
	[tilespmem:$0x1A800] =	vst v63  }
0x98: {  	_ =	swait.ge [sflag:s4], $0x4000  }
0x99: {  	[sflag:s4] =	ssyncset.done $0x0  }
0x9a: {  	s13 =	rddreg [dreg:$0xb];
	[sflag:s4] =	ssyncadd.s32 $0xFFFFC000  }
0x9b: {  	[hbm4b:s13+s10] =	stream.linear.scatter [tilespmem:s30], [sflag:$0xA], $0x4000, $0x38;
	[tilespmem:$0x1A800] =	vst v63  }
0x9c: {  	_ =	swait.ge [sflag:s5], $0x4000  }
0x9d: {  	[sflag:s5] =	ssyncset.done $0x0  }
0x9e: {  	s12 =	simm.s32 $0x3500;
	[sflag:s5] =	ssyncadd.s32 $0xFFFFC000  }
0x9f: {  	[tilespmem:s25], [sflag:$0x3] =	stream.indirect.gather [hbm4b:s1+s21], $0x80, s12, s21, $0xb8;
	[tilespmem:$0x1A800] =	vst v63  }
0xa0: {  	_ =	swait.ge [sflag:s6], $0x4000  }
0xa1: {  	[sflag:s6] =	ssyncset.done $0x0  }
0xa2: {  	s13 =	simm.s32 $0x3580;
	[sflag:s6] =	ssyncadd.s32 $0xFFFFC000  }
0xa3: {  	[tilespmem:s28], [sflag:$0x4] =	stream.indirect.gather [hbm4b:s1+s21], $0x80, s13, s21, $0xb8;
	[tilespmem:$0x1A800] =	vst v63  }
0xa4: {  	_ =	swait.ge [sflag:s7], $0x4000  }
0xa5: {  	[sflag:s7] =	ssyncset.done $0x0  }
0xa6: {  	s11 =	simm.s32 $0x3600;
	[sflag:s7] =	ssyncadd.s32 $0xFFFFC000  }
0xa7: {  	[tilespmem:s30], [sflag:$0x5] =	stream.indirect.gather [hbm4b:s1+s21], $0x80, s11, s21, $0xb8;
	[tilespmem:$0x1A800] =	vst v63  }
0xa8: {  	_ =	swait.ge [sflag:s31], $0x4000  }
0xa9: {  	[sflag:s31] =	ssyncset.done $0x0  }
0xaa: {  	s12 =	sadd.s32 $0xFFFFE000, s18;
	[sflag:s31] =	ssyncadd.s32 $0xFFFFC000  }
0xab: {  	[hbm4b:s12+s3] =	stream.linear.scatter [tilespmem:s22], [sflag:$0x6], $0x4000, $0x38;
	[tilespmem:$0x1A800] =	vst v63  }
0xac: {  	_ =	swait.ge [sflag:s2], $0x4000  }
0xad: {  	[sflag:s2] =	ssyncset.done $0x0  }
0xae: {  	s13 =	sadd.s32 $0xFFFFE800, s18;
	[sflag:s2] =	ssyncadd.s32 $0xFFFFC000  }
0xaf: {  	[hbm4b:s13+s3] =	stream.linear.scatter [tilespmem:s23], [sflag:$0x7], $0x4000, $0x38;
	[tilespmem:$0x1A800] =	vst v63  }
0xb0: {  	_ =	swait.ge [sflag:s0], $0x4000  }
0xb1: {  	[sflag:s0] =	ssyncset.done $0x0  }
0xb2: {  	s11 =	sadd.s32 $0xFFFFF000, s18;
	[sflag:s0] =	ssyncadd.s32 $0xFFFFC000  }
0xb3: {  	[hbm4b:s11+s3] =	stream.linear.scatter [tilespmem:s25], [sflag:$0x8], $0x4000, $0x38;
	[tilespmem:$0x1A800] =	vst v63  }
0xb4: {  	_ =	swait.ge [sflag:s24], $0x4000  }
0xb5: {  	[sflag:s24] =	ssyncset.done $0x0  }
0xb6: {  	s12 =	simm.s32 $0x3680;
	[sflag:s24] =	ssyncadd.s32 $0xFFFFC000  }
0xb7: {  	[tilespmem:s22], [sflag:$0x1] =	stream.indirect.gather [hbm4b:s1+s21], $0x80, s12, s21, $0xb8;
	[tilespmem:$0x1A800] =	vst v63  }
0xb8: {  	_ =	swait.ge [sflag:s26], $0x4000  }
0xb9: {  	[sflag:s26] =	ssyncset.done $0x0  }
0xba: {  	s13 =	sadd.s32 $0xFFFFF800, s18;
	[sflag:s26] =	ssyncadd.s32 $0xFFFFC000  }
0xbb: {  	[hbm4b:s13+s3] =	stream.linear.scatter [tilespmem:s28], [sflag:$0x9], $0x4000, $0x38;
	[tilespmem:$0x1A800] =	vst v63  }
0xbc: {  	_ =	swait.ge [sflag:s29], $0x4000  }
0xbd: {  	[sflag:s29] =	ssyncset.done $0x0  }
0xbe: {  	s11 =	simm.s32 $0x3700;
	[sflag:s29] =	ssyncadd.s32 $0xFFFFC000  }
0xbf: {  	[tilespmem:s23], [sflag:$0x2] =	stream.indirect.gather [hbm4b:s1+s21], $0x80, s11, s21, $0xb8;
	[tilespmem:$0x1A800] =	vst v63  }
0xc0: {  	_ =	swait.ge [sflag:s4], $0x4000  }
0xc1: {  	[sflag:s4] =	ssyncset.done $0x0  }
0xc2: {  	[sflag:s4] =	ssyncadd.s32 $0xFFFFC000  }
0xc3: {  	[hbm4b:s18+s3] =	stream.linear.scatter [tilespmem:s30], [sflag:$0xA], $0x4000, $0x38;
	[tilespmem:$0x1A800] =	vst v63  }
0xc4: {  	_ =	swait.ge [sflag:s5], $0x4000  }
0xc5: {  	[sflag:s5] =	ssyncset.done $0x0  }
0xc6: {  	s12 =	simm.s32 $0x3780;
	[sflag:s5] =	ssyncadd.s32 $0xFFFFC000  }
0xc7: {  	[tilespmem:s25], [sflag:$0x3] =	stream.indirect.gather [hbm4b:s1+s21], $0x80, s12, s21, $0xb8;
	[tilespmem:$0x1A800] =	vst v63  }
0xc8: {  	_ =	swait.ge [sflag:s6], $0x4000  }
0xc9: {  	[sflag:s6] =	ssyncset.done $0x0  }
0xca: {  	s13 =	simm.s32 $0x3800;
	[sflag:s6] =	ssyncadd.s32 $0xFFFFC000  }
0xcb: {  	[tilespmem:s28], [sflag:$0x4] =	stream.indirect.gather [hbm4b:s1+s21], $0x80, s13, s21, $0xb8;
	[tilespmem:$0x1A800] =	vst v63  }
0xcc: {  	_ =	swait.ge [sflag:s7], $0x4000  }
0xcd: {  	s10 =	simm.s32 $0xA00;
	[sflag:s7] =	ssyncset.done $0x0  }
0xce: {  	s11 =	sadd.s32 $0x2800, s18;
	s12 =	simm.s32 $0x3880;
	[sflag:s7] =	ssyncadd.s32 $0xFFFFC000  }
.LBB2_4:
0xcf: {  	[tilespmem:s30], [sflag:$0x5] =	stream.indirect.gather [hbm4b:s1+s21], $0x80, s12, s21, $0xb8;
	[tilespmem:$0x1A800] =	vst v63  }
0xd0: {  	s12 =	smov.u32 s10  }
0xd1: {  	p0 =	sne.s32 s10, $0xB400;
	s10 =	sadd.s32 $0xA00, s10;
	_ =	swait.ge [sflag:s31], $0x4000  }
0xd2: {  	[sflag:s31] =	ssyncset.done $0x0  }
0xd3: {  	s13 =	sadd.s32 $0xFFFFE000, s11;
	[sflag:s31] =	ssyncadd.s32 $0xFFFFC000  }
0xd4: {  	[hbm4b:s13+s3] =	stream.linear.scatter [tilespmem:s22], [sflag:$0x6], $0x4000, $0x38;
	[tilespmem:$0x1A800] =	vst v63  }
0xd5: {  	_ =	swait.ge [sflag:s2], $0x4000  }
0xd6: {  	[sflag:s2] =	ssyncset.done $0x0  }
0xd7: {  	s13 =	sadd.s32 $0xFFFFE800, s11;
	[sflag:s2] =	ssyncadd.s32 $0xFFFFC000  }
0xd8: {  	[hbm4b:s13+s3] =	stream.linear.scatter [tilespmem:s23], [sflag:$0x7], $0x4000, $0x38;
	[tilespmem:$0x1A800] =	vst v63  }
0xd9: {  	_ =	swait.ge [sflag:s0], $0x4000  }
0xda: {  	[sflag:s0] =	ssyncset.done $0x0  }
0xdb: {  	s13 =	sadd.s32 $0xFFFFF000, s11;
	[sflag:s0] =	ssyncadd.s32 $0xFFFFC000  }
0xdc: {  	[hbm4b:s13+s3] =	stream.linear.scatter [tilespmem:s25], [sflag:$0x8], $0x4000, $0x38;
	[tilespmem:$0x1A800] =	vst v63  }
0xdd: {  	_ =	swait.ge [sflag:s24], $0x4000  }
0xde: {  	s12 =	sshra.s32 s12, $0x2;
	[sflag:s24] =	ssyncset.done $0x0  }
0xdf: {  	s13 =	sadd.s32 $0x3680, s12;
	[sflag:s24] =	ssyncadd.s32 $0xFFFFC000  }
0xe0: {  	[tilespmem:s22], [sflag:$0x1] =	stream.indirect.gather [hbm4b:s1+s21], $0x80, s13, s21, $0xb8;
	[tilespmem:$0x1A800] =	vst v63  }
0xe1: {  	_ =	swait.ge [sflag:s26], $0x4000  }
0xe2: {  	[sflag:s26] =	ssyncset.done $0x0  }
0xe3: {  	s13 =	sadd.s32 $0xFFFFF800, s11;
	[sflag:s26] =	ssyncadd.s32 $0xFFFFC000  }
0xe4: {  	[hbm4b:s13+s3] =	stream.linear.scatter [tilespmem:s28], [sflag:$0x9], $0x4000, $0x38;
	[tilespmem:$0x1A800] =	vst v63  }
0xe5: {  	_ =	swait.ge [sflag:s29], $0x4000  }
0xe6: {  	[sflag:s29] =	ssyncset.done $0x0  }
0xe7: {  	s13 =	sadd.s32 $0x3700, s12;
	[sflag:s29] =	ssyncadd.s32 $0xFFFFC000  }
0xe8: {  	[tilespmem:s23], [sflag:$0x2] =	stream.indirect.gather [hbm4b:s1+s21], $0x80, s13, s21, $0xb8;
	[tilespmem:$0x1A800] =	vst v63  }
0xe9: {  	_ =	swait.ge [sflag:s4], $0x4000  }
0xea: {  	[sflag:s4] =	ssyncset.done $0x0  }
0xeb: {  	[sflag:s4] =	ssyncadd.s32 $0xFFFFC000  }
0xec: {  	[hbm4b:s11+s3] =	stream.linear.scatter [tilespmem:s30], [sflag:$0xA], $0x4000, $0x38;
	[tilespmem:$0x1A800] =	vst v63  }
0xed: {  	_ =	swait.ge [sflag:s5], $0x4000  }
0xee: {  	[sflag:s5] =	ssyncset.done $0x0  }
0xef: {  	s13 =	sadd.s32 $0x3780, s12;
	[sflag:s5] =	ssyncadd.s32 $0xFFFFC000  }
0xf0: {  	[tilespmem:s25], [sflag:$0x3] =	stream.indirect.gather [hbm4b:s1+s21], $0x80, s13, s21, $0xb8;
	[tilespmem:$0x1A800] =	vst v63  }
0xf1: {  	_ =	swait.ge [sflag:s6], $0x4000  }
0xf2: {  	[sflag:s6] =	ssyncset.done $0x0  }
.Ltmp1:
0xf3: {  	s13 =	sadd.s32 $0x3800, s12;
	[sflag:s6] =	ssyncadd.s32 $0xFFFFC000;
	(pc) =	sbr.rel @p0 .LBB2_4-.Ltmp1, $4  }
0xf4: {  	[tilespmem:s28], [sflag:$0x4] =	stream.indirect.gather [hbm4b:s1+s21], $0x80, s13, s21, $0xb8;
	[tilespmem:$0x1A800] =	vst v63  }
0xf5: {  	_ =	swait.ge [sflag:s7], $0x4000  }
0xf6: {  	[sflag:s7] =	ssyncset.done $0x0  }
0xf7: {  	s11 =	sadd.s32 $0x2800, s11;
	s12 =	sadd.s32 $0x3880, s12;
	[sflag:s7] =	ssyncadd.s32 $0xFFFFC000  }
0xf8: {  	[tilespmem:s30], [sflag:$0x5] =	stream.indirect.gather [hbm4b:s1+s21], $0x80, s12, s21, $0xb8;
	[tilespmem:$0x1A800] =	vst v63  }
0xf9: {  	_ =	swait.ge [sflag:s31], $0x4000  }
0xfa: {  	[sflag:s31] =	ssyncset.done $0x0  }
0xfb: {  	s10 =	rddreg [dreg:$0xc];
	[sflag:s31] =	ssyncadd.s32 $0xFFFFC000  }
0xfc: {  	[hbm4b:s10+s3] =	stream.linear.scatter [tilespmem:s22], [sflag:$0x6], $0x4000, $0x38;
	[tilespmem:$0x1A800] =	vst v63  }
0xfd: {  	_ =	swait.ge [sflag:s2], $0x4000  }
0xfe: {  	[sflag:s2] =	ssyncset.done $0x0  }
0xff: {  	s12 =	rddreg [dreg:$0xd];
	[sflag:s2] =	ssyncadd.s32 $0xFFFFC000  }
0x100: {  	[hbm4b:s12+s3] =	stream.linear.scatter [tilespmem:s23], [sflag:$0x7], $0x4000, $0x38;
	[tilespmem:$0x1A800] =	vst v63  }
0x101: {  	_ =	swait.ge [sflag:s0], $0x4000  }
0x102: {  	[sflag:s0] =	ssyncset.done $0x0  }
0x103: {  	s13 =	rddreg [dreg:$0xe];
	[sflag:s0] =	ssyncadd.s32 $0xFFFFC000  }
0x104: {  	[hbm4b:s13+s3] =	stream.linear.scatter [tilespmem:s25], [sflag:$0x8], $0x4000, $0x38;
	[tilespmem:$0x1A800] =	vst v63  }
0x105: {  	_ =	swait.ge [sflag:s26], $0x4000  }
0x106: {  	[sflag:s26] =	ssyncset.done $0x0  }
0x107: {  	[sflag:s26] =	ssyncadd.s32 $0xFFFFC000  }
0x108: {  	[hbm4b:s14+s3] =	stream.linear.scatter [tilespmem:s28], [sflag:$0x9], $0x4000, $0x38;
	[tilespmem:$0x1A800] =	vst v63  }
0x109: {  	_ =	swait.ge [sflag:s4], $0x4000  }
0x10a: {  	[sflag:s4] =	ssyncset.done $0x0  }
0x10b: {  	[sflag:s4] =	ssyncadd.s32 $0xFFFFC000  }
0x10c: {  	[hbm4b:s15+s3] =	stream.linear.scatter [tilespmem:s30], [sflag:$0xA], $0x4000, $0x38;
	[tilespmem:$0x1A800] =	vst v63  }
0x10d: {  	_ =	swait.ge [sflag:s24], $0x4000  }
0x10e: {  	[sflag:s24] =	ssyncset.done $0x0  }
0x10f: {  	[sflag:s24] =	ssyncadd.s32 $0xFFFFC000  }
0x110: {  	_ =	swait.ge [sflag:s29], $0x4000  }
0x111: {  	[sflag:s29] =	ssyncset.done $0x0  }
0x112: {  	[sflag:s29] =	ssyncadd.s32 $0xFFFFC000  }
0x113: {  	_ =	swait.ge [sflag:s5], $0x4000  }
0x114: {  	[sflag:s5] =	ssyncset.done $0x0  }
0x115: {  	s9 =	sadd.s32 $0x1, s9;
	[sflag:s5] =	ssyncadd.s32 $0xFFFFC000  }
0x116: {  	p0 =	sne.s32 s9, s16;
	_ =	swait.ge [sflag:s6], $0x4000  }
.Ltmp2:
0x117: {  	[sflag:s6] =	ssyncset.done $0x0;
	(pc) =	sbr.rel @p0 .LBB2_1-.Ltmp2, $4  }
0x118: {  	[sflag:s6] =	ssyncadd.s32 $0xFFFFC000  }
0x119: {  	_ =	swait.ge [sflag:s7], $0x4000  }
0x11a: {  	[sflag:s7] =	ssyncset.done $0x0  }
0x11b: {  	[sflag:s7] =	ssyncadd.s32 $0xFFFFC000  }
0x11c: {  	_ =	sfence.sel $0x180000  }
0x11d: {  	[bflag:$0x0] =	sbarrier.arrive $0xFFFF  }
0x11e: {  	_ =	strace $0x90000047  }
0x11f: {  	s0 =	stileid.u32;
	[bflag:$0x2] =	sbarrier.arrive $0xFFFF  }
0x120: {  	p0 =	sne.s32 s0, $0x0;
	s0 =	rddreg [dreg:$0x4]  }
0x121: {  	s0 =	sadd.s32 @!p0 $0x100000, s0  }
0x122: {  	[sflag:s0] =	ssyncadd.tile.s32 @!p0 $0x1;
	_ =	shalt  }
.Lfunc_end2:
_tile_overlayer_lowered:
.L_overlay_start_2:
0x123: {  	(tag) =	ssettag $0x2  }
0x124: {  	s0 =	rddreg [dreg:$0x0];
	s2 =	stileid.u32  }
0x125: {  	s1 =	rddreg [dreg:$0x1];
	p0 =	sne.s32 s2, $0x0  }
0x126: {  	s3 =	rddreg [dreg:$0x2];
	[bflag:$0x3] =	sbarrier.arrive $0xFFFF;
	s2 =	simm.s32 @!p0 $0x1C0C  }
0x127: {  	[timem:s3], [sflag:s2] =	dma.local @!p0 [hbm:s0], s1  }
0x128: {  	s0 =	simm.s32 @!p0 $0xC  }
0x129: {  	_ =	swait.ge @!p0 [sflag:s0], s1  }
0x12a: {  	s1 =	ssub.s32 @!p0 $0x0, s1;
	[sflag:s0] =	ssyncset.done @!p0 $0x0  }
0x12b: {  	[sflag:s0] =	ssyncadd.s32 @!p0 s1  }
0x12c: {  	[bflag:$0x3] =	sbarrier.arrive $0xFFFF  }
0x12d: {  	_ =	shalt  }

</sc_bundles>
